<compile_context>
chip_gen: v7x
topology: tpu7x:2x2x1
jax: 0.10.2.dev20260603
libtpu: 0.0.44.dev20260713+nightly
codegen_flags: <defaults>
</compile_context>

<pallas_src>
import functools

import jax
import jax.numpy as jnp
from jax import lax
from jax.experimental import pallas as pl
from jax.experimental.pallas import tpu as pltpu
from jax.experimental.pallas import tpu_sc as plsc

_N = 10000
_E = 320000
_D = 128
_H = 8
_C = 16
_TD = 32
_MSG = 16
_HC = _H * _C
_TW = 256
_NC = 2
_NS = 16
_NW = _NC * _NS
_EW = _E // _NW
_CH = 80
_NCH = _EW // _CH
_NB = 1000
_BE = 2000


def _dot(a, b):
    return lax.dot_general(a, b, (((1,), (0,)), ((), ())),
                           precision=lax.Precision.HIGHEST,
                           preferred_element_type=jnp.float32)



def _proj_body(x_ref, wqt, wkt, wvt, wst, bq, bk, bv, bs,
               q_ref, tsrc_ref, skip_ref):
    xb = x_ref[...]
    q_ref[...] = _dot(xb, wqt[...]) + bq[...]
    tsrc_ref[:, 0:128] = _dot(xb, wkt[...]) + bk[...]
    tsrc_ref[:, 128:256] = _dot(xb, wvt[...]) + bv[...]
    skip_ref[...] = _dot(xb, wst[...]) + bs[...]


def _stage1(x, wqt, wkt, wvt, wst, bq, bk, bv, bs):
    r = 2000
    w_spec = pl.BlockSpec((_D, _HC), lambda i: (0, 0))
    b_spec = pl.BlockSpec((1, _HC), lambda i: (0, 0))
    return pl.pallas_call(
        _proj_body,
        grid=(_N // r,),
        in_specs=[pl.BlockSpec((r, _D), lambda i: (i, 0)),
                  w_spec, w_spec, w_spec, w_spec,
                  b_spec, b_spec, b_spec, b_spec],
        out_specs=[pl.BlockSpec((r, _HC), lambda i: (i, 0)),
                   pl.BlockSpec((r, _TW), lambda i: (i, 0)),
                   pl.BlockSpec((r, _HC), lambda i: (i, 0))],
        out_shape=[jax.ShapeDtypeStruct((_N, _HC), jnp.float32),
                   jax.ShapeDtypeStruct((_N, _TW), jnp.float32),
                   jax.ShapeDtypeStruct((_N, _HC), jnp.float32)],
    )(x, wqt, wkt, wvt, wst, bq, bk, bv, bs)



def _gather_body(q_hbm, tsrc_hbm, lu_hbm, src_hbm, dst_hbm,
                 qd_hbm, gsrc_hbm, lus_hbm,
                 sidx, didx, qbuf, sbuf, lubuf, lu_v, sem1, sem2):
    c = lax.axis_index("c")
    s = lax.axis_index("s")
    base = (c * _NS + s) * _EW
    pltpu.sync_copy(lu_hbm, lu_v)

    def chunk(j, carry):
        off = base + j * _CH
        pltpu.sync_copy(src_hbm.at[pl.ds(off, _CH)], sidx)
        pltpu.sync_copy(dst_hbm.at[pl.ds(off, _CH)], didx)
        cp1 = pltpu.async_copy(tsrc_hbm.at[sidx], sbuf, sem1)
        cp2 = pltpu.async_copy(q_hbm.at[didx], qbuf, sem2)
        for i in range(_CH // 16):
            iv = sidx[pl.ds(i * 16, 16)]
            lubuf[pl.ds(i * 16, 16)] = plsc.load_gather(lu_v, [iv])
        cp1.wait()
        cp2.wait()
        pltpu.sync_copy(sbuf, gsrc_hbm.at[pl.ds(off, _CH)])
        pltpu.sync_copy(qbuf, qd_hbm.at[pl.ds(off, _CH)])
        pltpu.sync_copy(lubuf, lus_hbm.at[pl.ds(off, _CH)])
        return carry

    lax.fori_loop(0, _NCH, chunk, 0)


@functools.lru_cache(maxsize=1)
def _gather_kernel():
    return pl.kernel(
        _gather_body,
        out_type=[jax.ShapeDtypeStruct((_E, _HC), jnp.float32),
                  jax.ShapeDtypeStruct((_E, _TW), jnp.float32),
                  jax.ShapeDtypeStruct((_E,), jnp.float32)],
        mesh=plsc.VectorSubcoreMesh(core_axis_name="c", subcore_axis_name="s"),
        compiler_params=pltpu.CompilerParams(needs_layout_passes=False),
        scratch_types=[pltpu.VMEM((_CH,), jnp.int32),
                       pltpu.VMEM((_CH,), jnp.int32),
                       pltpu.VMEM((_CH, _HC), jnp.float32),
                       pltpu.VMEM((_CH, _TW), jnp.float32),
                       pltpu.VMEM((_CH,), jnp.float32),
                       pltpu.VMEM((_N,), jnp.float32),
                       pltpu.SemaphoreType.DMA,
                       pltpu.SemaphoreType.DMA])



def _edge_body(qd_ref, gsrc_ref, lus_ref, t_ref, msg_ref, wt_ref, bt_ref,
               wet_t, wet_m, outj_ref, ex16_ref):
    qd = qd_ref[...]
    ks = gsrc_ref[:, 0:128]
    vs = gsrc_ref[:, 128:256]
    rel = lus_ref[...] - t_ref[...]
    enc = jnp.cos(rel * wt_ref[...] + bt_ref[...])
    e = _dot(enc, wet_t[...]) + _dot(msg_ref[...], wet_m[...])
    sel = (lax.broadcasted_iota(jnp.int32, (128, 8), 0) // 16
           == lax.broadcasted_iota(jnp.int32, (128, 8), 1)).astype(jnp.float32)
    alpha = _dot(qd * (ks + e), sel) * 0.25
    ex = jnp.exp(alpha)
    sel_t = (lax.broadcasted_iota(jnp.int32, (8, 128), 0)
             == lax.broadcasted_iota(jnp.int32, (8, 128), 1) // 16).astype(jnp.float32)
    exb = _dot(ex, sel_t)
    outj_ref[...] = (vs + e) * exb
    pad = (lax.broadcasted_iota(jnp.int32, (8, 16), 0)
           == lax.broadcasted_iota(jnp.int32, (8, 16), 1)).astype(jnp.float32)
    ex16_ref[...] = _dot(ex, pad)


def _stage3(qd, gsrc, lus, t, msg, wt, bt, wet_t, wet_m):
    b = 2000
    return pl.pallas_call(
        _edge_body,
        grid=(_E // b,),
        in_specs=[pl.BlockSpec((b, _HC), lambda i: (i, 0)),
                  pl.BlockSpec((b, _TW), lambda i: (i, 0)),
                  pl.BlockSpec((b, 1), lambda i: (i, 0)),
                  pl.BlockSpec((b, 1), lambda i: (i, 0)),
                  pl.BlockSpec((b, _MSG), lambda i: (i, 0)),
                  pl.BlockSpec((1, _TD), lambda i: (0, 0)),
                  pl.BlockSpec((1, _TD), lambda i: (0, 0)),
                  pl.BlockSpec((_TD, _HC), lambda i: (0, 0)),
                  pl.BlockSpec((_MSG, _HC), lambda i: (0, 0))],
        out_specs=[pl.BlockSpec((b, _HC), lambda i: (i, 0)),
                   pl.BlockSpec((b, 16), lambda i: (i, 0))],
        out_shape=[jax.ShapeDtypeStruct((_E, _HC), jnp.float32),
                   jax.ShapeDtypeStruct((_E, 16), jnp.float32)],
    )(qd, gsrc, lus, t, msg, wt, bt, wet_t, wet_m)



def _segsum_body(dstr_ref, outj_ref, ex16_ref, acc_ref, den_ref):
    i = pl.program_id(0)

    @pl.when(i == 0)
    def _init():
        acc_ref[...] = jnp.zeros_like(acc_ref)
        den_ref[...] = jnp.zeros_like(den_ref)

    oj = outj_ref[...].astype(jnp.bfloat16)
    exb = ex16_ref[...].astype(jnp.bfloat16)
    dstb = dstr_ref[0]
    mm = lambda a, b: lax.dot_general(a, b, (((1,), (0,)), ((), ())),
                                      preferred_element_type=jnp.float32)
    for j in range(_N // _NB):
        rows = j * _NB + lax.broadcasted_iota(jnp.int32, (_NB, _BE), 0)
        mask = (rows == dstb).astype(jnp.bfloat16)
        acc_ref[pl.ds(j * _NB, _NB), :] += mm(mask, oj)
        den_ref[pl.ds(j * _NB, _NB), :] += mm(mask, exb)


def _stage4(dstr, outj, ex16):
    return pl.pallas_call(
        _segsum_body,
        grid=(_E // _BE,),
        in_specs=[pl.BlockSpec((1, 1, _BE), lambda i: (i, 0, 0)),
                  pl.BlockSpec((_BE, _HC), lambda i: (i, 0)),
                  pl.BlockSpec((_BE, 16), lambda i: (i, 0))],
        out_specs=[pl.BlockSpec((_N, _HC), lambda i: (0, 0)),
                   pl.BlockSpec((_N, 16), lambda i: (0, 0))],
        out_shape=[jax.ShapeDtypeStruct((_N, _HC), jnp.float32),
                   jax.ShapeDtypeStruct((_N, 16), jnp.float32)],
    )(dstr, outj, ex16)



def _final_body(acc_ref, den_ref, skip_ref, out_ref):
    acc = acc_ref[...]
    den = den_ref[...]
    bmat = (lax.broadcasted_iota(jnp.int32, (16, 128), 0)
            == lax.broadcasted_iota(jnp.int32, (16, 128), 1) // 16).astype(jnp.float32)
    denb = _dot(den, bmat)
    out_ref[...] = jnp.where(denb > 0, acc / denb, 0.0) + skip_ref[...]


def _stage5(acc, den, skip):
    r = 2000
    return pl.pallas_call(
        _final_body,
        grid=(_N // r,),
        in_specs=[pl.BlockSpec((r, _HC), lambda i: (i, 0)),
                  pl.BlockSpec((r, 16), lambda i: (i, 0)),
                  pl.BlockSpec((r, _HC), lambda i: (i, 0))],
        out_specs=pl.BlockSpec((r, _HC), lambda i: (i, 0)),
        out_shape=jax.ShapeDtypeStruct((_N, _HC), jnp.float32),
    )(acc, den, skip)


def kernel(x, last_update, edge_index, t, msg, w_time, b_time,
           Wq, bq, Wk, bk, Wv, bv, We, Wskip, bskip):
    src = edge_index[0]
    dst = edge_index[1]
    q, tsrc, skip = _stage1(x, Wq.T, Wk.T, Wv.T, Wskip.T,
                            bq[None, :], bk[None, :], bv[None, :], bskip[None, :])
    qd, gsrc, lus = _gather_kernel()(q, tsrc, last_update, src, dst)
    wet = We.T
    outj, ex16 = _stage3(qd, gsrc, lus[:, None], t[:, None], msg,
                         w_time[:, 0][None, :], b_time[None, :],
                         wet[:_TD], wet[_TD:])
    acc, den = _stage4(dst.reshape(_E // _BE, 1, _BE), outj, ex16)
    return _stage5(acc, den, skip)

# --- scband reference (transcript-rebuilt; emitter-appended) ---
"""Pipeline reference for scband-graph-attention-embedding-2851858285000 (READ-ONLY COPY).

The authoritative reference and input builder live on the scoring server;
editing this copy changes nothing except your own understanding.
"""

import jax, jax.numpy as jnp
import numpy as np

N = 10000
E = 320000
D = 128
H = 8
C = 16  # out_channels // num_headers = 128 // 8
TD = 32  # time encoder out_channels
MSG = 16
ED = MSG + TD  # edge_dim = 48


def setup_inputs(seed: int = 0) -> dict:
    key = jax.random.key(seed)
    ks = jax.random.split(key, 16)
    s = 0.05
    x = jax.random.normal(ks[0], (N, D), dtype=jnp.float32)
    last_update = jax.random.uniform(ks[1], (N,), dtype=jnp.float32) * 1000.0
    edge_index = jax.random.randint(ks[2], (2, E), 0, N, dtype=jnp.int32)
    t = jax.random.uniform(ks[3], (E,), dtype=jnp.float32) * 1000.0
    msg = jax.random.normal(ks[4], (E, MSG), dtype=jnp.float32)
    # TimeEncoder params: Linear(1, TD) followed by cos
    w_time = jax.random.normal(ks[5], (TD, 1), dtype=jnp.float32) * s
    b_time = jnp.zeros((TD,), dtype=jnp.float32)
    # TransformerConv params (PyG semantics, heads=H, out per head=C, edge_dim=ED)
    Wq = jax.random.normal(ks[6], (H * C, D), dtype=jnp.float32) * s
    bq = jnp.zeros((H * C,), dtype=jnp.float32)
    Wk = jax.random.normal(ks[7], (H * C, D), dtype=jnp.float32) * s
    bk = jnp.zeros((H * C,), dtype=jnp.float32)
    Wv = jax.random.normal(ks[8], (H * C, D), dtype=jnp.float32) * s
    bv = jnp.zeros((H * C,), dtype=jnp.float32)
    We = jax.random.normal(ks[9], (H * C, ED), dtype=jnp.float32) * s  # lin_edge, bias=False
    Wskip = jax.random.normal(ks[10], (H * C, D), dtype=jnp.float32) * s  # lin_skip (root_weight)
    bskip = jnp.zeros((H * C,), dtype=jnp.float32)
    return {
        'x': x, 'last_update': last_update, 'edge_index': edge_index, 't': t, 'msg': msg,
        'w_time': w_time, 'b_time': b_time,
        'Wq': Wq, 'bq': bq, 'Wk': Wk, 'bk': bk, 'Wv': Wv, 'bv': bv,
        'We': We, 'Wskip': Wskip, 'bskip': bskip,
    }


def reference(x, last_update, edge_index, t, msg, w_time, b_time, Wq, bq, Wk, bk, Wv, bv, We, Wskip, bskip):
    src = edge_index[0]
    dst = edge_index[1]
    # rel_t = last_update[edge_index[0]] - t ; time encoding = cos(Linear(rel_t))
    rel_t = last_update[src] - t
    rel_t_enc = jnp.cos(rel_t[:, None] * w_time[None, :, 0] + b_time[None, :])  # [E, TD]
    edge_attr = jnp.concatenate([rel_t_enc, msg], axis=-1)  # [E, ED]
    # TransformerConv (eval mode, dropout inactive)
    q = (x @ Wq.T + bq).reshape(N, H, C)
    k = (x @ Wk.T + bk).reshape(N, H, C)
    v = (x @ Wv.T + bv).reshape(N, H, C)
    e = (edge_attr @ We.T).reshape(E, H, C)
    k_j = k[src] + e                                   # gather + edge bias
    alpha = jnp.sum(q[dst] * k_j, axis=-1) / jnp.sqrt(jnp.float32(C))  # [E, H]
    # segment softmax over incoming edges per destination node
    m = jax.ops.segment_max(alpha, dst, num_segments=N)
    m = jnp.where(jnp.isfinite(m), m, 0.0)
    ex = jnp.exp(alpha - m[dst])
    denom = jax.ops.segment_sum(ex, dst, num_segments=N)
    a = ex / denom[dst]
    out_j = (v[src] + e) * a[..., None]                # [E, H, C]
    out = jax.ops.segment_sum(out_j, dst, num_segments=N)  # scatter-add aggregation
    out = out.reshape(N, H * C)
    out = out + x @ Wskip.T + bskip                    # root/skip connection
    return out

if __name__ == "__main__":
    import jax
    _d = setup_inputs()
    print(jax.jit(kernel)(*tuple(_d.values())))

</pallas_src>

<mosaic_0001>
#map = affine_map<(d0, d1) -> (0, 0)>
#map1 = affine_map<(d0, d1) -> (0)>
module attributes {stable_mosaic.version = 14 : i64} {
  func.func @_gather_body(%arg0: i32, %arg1: i32, %arg2: memref<10000x128xf32, #tpu.memory_space<hbm>>, %arg3: memref<10000x256xf32, #tpu.memory_space<hbm>>, %arg4: memref<10000xf32, #tpu.memory_space<hbm>>, %arg5: memref<320000xi32, #tpu.memory_space<hbm>>, %arg6: memref<320000xi32, #tpu.memory_space<hbm>>, %arg7: memref<320000x128xf32, #tpu.memory_space<hbm>>, %arg8: memref<320000x256xf32, #tpu.memory_space<hbm>>, %arg9: memref<320000xf32, #tpu.memory_space<hbm>>, %arg10: memref<80xi32, #tpu.memory_space<vmem>>, %arg11: memref<80xi32, #tpu.memory_space<vmem>>, %arg12: memref<80x128xf32, #tpu.memory_space<vmem>>, %arg13: memref<80x256xf32, #tpu.memory_space<vmem>>, %arg14: memref<80xf32, #tpu.memory_space<vmem>>, %arg15: memref<10000xf32, #tpu.memory_space<vmem>>, %arg16: memref<!tpu.dma_semaphore, #tpu.memory_space<semaphore_mem>>, %arg17: memref<!tpu.dma_semaphore, #tpu.memory_space<semaphore_mem>>) attributes {dimension_semantics = [#tpu.dimension_semantics<core_parallel>, #tpu.dimension_semantics<subcore_parallel>], iteration_bounds = array<i64: 2, 16>, scalar_prefetch = 0 : i64, scratch_operands = 8 : i64, tpu.core_type = #tpu.core_type<sc_vector_subcore>, window_params = [{transform_indices = #map}, {transform_indices = #map}, {transform_indices = #map1}, {transform_indices = #map1}, {transform_indices = #map1}, {transform_indices = #map}, {transform_indices = #map}, {transform_indices = #map1}]} {
    %mul3A = arith.constant 16 : i32
    %mul3A_0 = arith.muli %arg0, %mul3A : i32
    %add3A = arith.addi %mul3A_0, %arg1 : i32
    %mul3A_1 = arith.constant 10000 : i32
    %mul3A_2 = arith.muli %add3A, %mul3A_1 : i32
    "tpu.region"() ({
      %run_scoped3A = tpu.sem_alloc : memref<!tpu.dma_semaphore, #tpu.memory_space<semaphore_mem>>
      tpu.enqueue_dma source(%arg4 : memref<10000xf32, #tpu.memory_space<hbm>>) target(%arg15 : memref<10000xf32, #tpu.memory_space<vmem>>) target_semaphore(%run_scoped3A : memref<!tpu.dma_semaphore, #tpu.memory_space<semaphore_mem>>)
      tpu.wait_dma2 semaphore(%run_scoped3A : memref<!tpu.dma_semaphore, #tpu.memory_space<semaphore_mem>>) src(%arg4 : memref<10000xf32, #tpu.memory_space<hbm>>) dst(%arg15 : memref<10000xf32, #tpu.memory_space<vmem>>)
      tpu.yield
    }) : () -> ()
    %scan3A = arith.constant 0 : i32
    %scan3A_3 = arith.constant 0 : i32
    %scan3A_4 = arith.constant 125 : i32
    %scan3A_5 = arith.addi %scan3A_3, %scan3A_4 : i32
    %scan3A_6 = arith.constant 1 : i32
    scf.for %scan3A_8 = %scan3A_3 to %scan3A_5 step %scan3A_6  : i32 {
      %mul3A_9 = arith.constant 80 : i32
      %mul3A_10 = arith.muli %scan3A_8, %mul3A_9 : i32
      %add3A_11 = arith.addi %mul3A_2, %mul3A_10 : i32
      "tpu.region"() ({
        %run_scoped3A = tpu.sem_alloc : memref<!tpu.dma_semaphore, #tpu.memory_space<semaphore_mem>>
        %dma_start3A_44 = tpu.memref_slice %arg5[%add3A_11] : memref<320000xi32, #tpu.memory_space<hbm>> -> memref<80xi32, #tpu.memory_space<hbm>>
        %dma_start3A_45 = tpu.memref_slice %arg5[%add3A_11] : memref<320000xi32, #tpu.memory_space<hbm>> -> memref<80xi32, #tpu.memory_space<hbm>>
        tpu.enqueue_dma source(%dma_start3A_45 : memref<80xi32, #tpu.memory_space<hbm>>) target(%arg10 : memref<80xi32, #tpu.memory_space<vmem>>) target_semaphore(%run_scoped3A : memref<!tpu.dma_semaphore, #tpu.memory_space<semaphore_mem>>)
        %dma_wait3A_46 = tpu.memref_slice %arg5[%add3A_11] : memref<320000xi32, #tpu.memory_space<hbm>> -> memref<80xi32, #tpu.memory_space<hbm>>
        %dma_wait3A_47 = tpu.memref_slice %arg5[%add3A_11] : memref<320000xi32, #tpu.memory_space<hbm>> -> memref<80xi32, #tpu.memory_space<hbm>>
        tpu.wait_dma2 semaphore(%run_scoped3A : memref<!tpu.dma_semaphore, #tpu.memory_space<semaphore_mem>>) src(%dma_wait3A_47 : memref<80xi32, #tpu.memory_space<hbm>>) dst(%arg10 : memref<80xi32, #tpu.memory_space<vmem>>)
        tpu.yield
      }) : () -> ()
      "tpu.region"() ({
        %run_scoped3A = tpu.sem_alloc : memref<!tpu.dma_semaphore, #tpu.memory_space<semaphore_mem>>
        %dma_start3A_44 = tpu.memref_slice %arg6[%add3A_11] : memref<320000xi32, #tpu.memory_space<hbm>> -> memref<80xi32, #tpu.memory_space<hbm>>
        %dma_start3A_45 = tpu.memref_slice %arg6[%add3A_11] : memref<320000xi32, #tpu.memory_space<hbm>> -> memref<80xi32, #tpu.memory_space<hbm>>
        tpu.enqueue_dma source(%dma_start3A_45 : memref<80xi32, #tpu.memory_space<hbm>>) target(%arg11 : memref<80xi32, #tpu.memory_space<vmem>>) target_semaphore(%run_scoped3A : memref<!tpu.dma_semaphore, #tpu.memory_space<semaphore_mem>>)
        %dma_wait3A_46 = tpu.memref_slice %arg6[%add3A_11] : memref<320000xi32, #tpu.memory_space<hbm>> -> memref<80xi32, #tpu.memory_space<hbm>>
        %dma_wait3A_47 = tpu.memref_slice %arg6[%add3A_11] : memref<320000xi32, #tpu.memory_space<hbm>> -> memref<80xi32, #tpu.memory_space<hbm>>
        tpu.wait_dma2 semaphore(%run_scoped3A : memref<!tpu.dma_semaphore, #tpu.memory_space<semaphore_mem>>) src(%dma_wait3A_47 : memref<80xi32, #tpu.memory_space<hbm>>) dst(%arg11 : memref<80xi32, #tpu.memory_space<vmem>>)
        tpu.yield
      }) : () -> ()
      %dma_start3A = arith.constant 0 : i32
      %dma_start3A_12 = arith.constant 0 : i32
      %dma_start3A_13 = tpu.memref_slice %arg3[%dma_start3A, %dma_start3A_12] : memref<10000x256xf32, #tpu.memory_space<hbm>> -> memref<10000x256xf32, #tpu.memory_space<hbm>>
      tpu.enqueue_indirect_dma source(%dma_start3A_13 : memref<10000x256xf32, #tpu.memory_space<hbm>>) target(%arg13 : memref<80x256xf32, #tpu.memory_space<vmem>>) offsets(%arg10 : memref<80xi32, #tpu.memory_space<vmem>>) semaphore(%arg16 : memref<!tpu.dma_semaphore, #tpu.memory_space<semaphore_mem>>)
      %dma_start3A_14 = arith.constant 0 : i32
      %dma_start3A_15 = arith.constant 0 : i32
      %dma_start3A_16 = tpu.memref_slice %arg2[%dma_start3A_14, %dma_start3A_15] : memref<10000x128xf32, #tpu.memory_space<hbm>> -> memref<10000x128xf32, #tpu.memory_space<hbm>>
      tpu.enqueue_indirect_dma source(%dma_start3A_16 : memref<10000x128xf32, #tpu.memory_space<hbm>>) target(%arg12 : memref<80x128xf32, #tpu.memory_space<vmem>>) offsets(%arg11 : memref<80xi32, #tpu.memory_space<vmem>>) semaphore(%arg17 : memref<!tpu.dma_semaphore, #tpu.memory_space<semaphore_mem>>)
      %get3A = arith.constant 0 : index
      %get3A_17 = tpu.vector_load %arg10[%get3A] {strides = array<i32>} : memref<80xi32, #tpu.memory_space<vmem>>, vector<16xi32>,
      %gather3A = tpu.vector_load_idx %arg15[%get3A_17] : memref<10000xf32, #tpu.memory_space<vmem>>[vector<16xi32>], vector<16xf32>,
      %swap3A = arith.constant 0 : index
      %swap3A_18 = tpu.vector_load %arg14[%swap3A] {strides = array<i32>} : memref<80xf32, #tpu.memory_space<vmem>>, vector<16xf32>,
      tpu.vector_store %arg14[%swap3A], %gather3A {strides = array<i32>} : memref<80xf32, #tpu.memory_space<vmem>>, vector<16xf32>,
      %get3A_19 = arith.constant 16 : index
      %get3A_20 = tpu.vector_load %arg10[%get3A_19] {strides = array<i32>} : memref<80xi32, #tpu.memory_space<vmem>>, vector<16xi32>,
      %gather3A_21 = tpu.vector_load_idx %arg15[%get3A_20] : memref<10000xf32, #tpu.memory_space<vmem>>[vector<16xi32>], vector<16xf32>,
      %swap3A_22 = arith.constant 16 : index
      %swap3A_23 = tpu.vector_load %arg14[%swap3A_22] {strides = array<i32>} : memref<80xf32, #tpu.memory_space<vmem>>, vector<16xf32>,
      tpu.vector_store %arg14[%swap3A_22], %gather3A_21 {strides = array<i32>} : memref<80xf32, #tpu.memory_space<vmem>>, vector<16xf32>,
      %get3A_24 = arith.constant 32 : index
      %get3A_25 = tpu.vector_load %arg10[%get3A_24] {strides = array<i32>} : memref<80xi32, #tpu.memory_space<vmem>>, vector<16xi32>,
      %gather3A_26 = tpu.vector_load_idx %arg15[%get3A_25] : memref<10000xf32, #tpu.memory_space<vmem>>[vector<16xi32>], vector<16xf32>,
      %swap3A_27 = arith.constant 32 : index
      %swap3A_28 = tpu.vector_load %arg14[%swap3A_27] {strides = array<i32>} : memref<80xf32, #tpu.memory_space<vmem>>, vector<16xf32>,
      tpu.vector_store %arg14[%swap3A_27], %gather3A_26 {strides = array<i32>} : memref<80xf32, #tpu.memory_space<vmem>>, vector<16xf32>,
      %get3A_29 = arith.constant 48 : index
      %get3A_30 = tpu.vector_load %arg10[%get3A_29] {strides = array<i32>} : memref<80xi32, #tpu.memory_space<vmem>>, vector<16xi32>,
      %gather3A_31 = tpu.vector_load_idx %arg15[%get3A_30] : memref<10000xf32, #tpu.memory_space<vmem>>[vector<16xi32>], vector<16xf32>,
      %swap3A_32 = arith.constant 48 : index
      %swap3A_33 = tpu.vector_load %arg14[%swap3A_32] {strides = array<i32>} : memref<80xf32, #tpu.memory_space<vmem>>, vector<16xf32>,
      tpu.vector_store %arg14[%swap3A_32], %gather3A_31 {strides = array<i32>} : memref<80xf32, #tpu.memory_space<vmem>>, vector<16xf32>,
      %get3A_34 = arith.constant 64 : index
      %get3A_35 = tpu.vector_load %arg10[%get3A_34] {strides = array<i32>} : memref<80xi32, #tpu.memory_space<vmem>>, vector<16xi32>,
      %gather3A_36 = tpu.vector_load_idx %arg15[%get3A_35] : memref<10000xf32, #tpu.memory_space<vmem>>[vector<16xi32>], vector<16xf32>,
      %swap3A_37 = arith.constant 64 : index
      %swap3A_38 = tpu.vector_load %arg14[%swap3A_37] {strides = array<i32>} : memref<80xf32, #tpu.memory_space<vmem>>, vector<16xf32>,
      tpu.vector_store %arg14[%swap3A_37], %gather3A_36 {strides = array<i32>} : memref<80xf32, #tpu.memory_space<vmem>>, vector<16xf32>,
      %dma_wait3A = arith.constant 0 : i32
      %dma_wait3A_39 = arith.constant 0 : i32
      %dma_wait3A_40 = tpu.memref_slice %arg3[%dma_wait3A, %dma_wait3A_39] : memref<10000x256xf32, #tpu.memory_space<hbm>> -> memref<10000x256xf32, #tpu.memory_space<hbm>>
      tpu.wait_indirect_dma semaphore(%arg16 : memref<!tpu.dma_semaphore, #tpu.memory_space<semaphore_mem>>) src(%dma_wait3A_40 : memref<10000x256xf32, #tpu.memory_space<hbm>>) dst(%arg13 : memref<80x256xf32, #tpu.memory_space<vmem>>)
      %dma_wait3A_41 = arith.constant 0 : i32
      %dma_wait3A_42 = arith.constant 0 : i32
      %dma_wait3A_43 = tpu.memref_slice %arg2[%dma_wait3A_41, %dma_wait3A_42] : memref<10000x128xf32, #tpu.memory_space<hbm>> -> memref<10000x128xf32, #tpu.memory_space<hbm>>
      tpu.wait_indirect_dma semaphore(%arg17 : memref<!tpu.dma_semaphore, #tpu.memory_space<semaphore_mem>>) src(%dma_wait3A_43 : memref<10000x128xf32, #tpu.memory_space<hbm>>) dst(%arg12 : memref<80x128xf32, #tpu.memory_space<vmem>>)
      "tpu.region"() ({
        %run_scoped3A = tpu.sem_alloc : memref<!tpu.dma_semaphore, #tpu.memory_space<semaphore_mem>>
        %dma_start3A_44 = arith.constant 0 : i32
        %dma_start3A_45 = tpu.memref_slice %arg8[%add3A_11, %dma_start3A_44] : memref<320000x256xf32, #tpu.memory_space<hbm>> -> memref<80x256xf32, #tpu.memory_space<hbm>>
        %dma_start3A_46 = arith.constant 0 : i32
        %dma_start3A_47 = tpu.memref_slice %arg8[%add3A_11, %dma_start3A_46] : memref<320000x256xf32, #tpu.memory_space<hbm>> -> memref<80x256xf32, #tpu.memory_space<hbm>>
        tpu.enqueue_dma source(%arg13 : memref<80x256xf32, #tpu.memory_space<vmem>>) target(%dma_start3A_47 : memref<80x256xf32, #tpu.memory_space<hbm>>) target_semaphore(%run_scoped3A : memref<!tpu.dma_semaphore, #tpu.memory_space<semaphore_mem>>)
        %dma_wait3A_48 = arith.constant 0 : i32
        %dma_wait3A_49 = tpu.memref_slice %arg8[%add3A_11, %dma_wait3A_48] : memref<320000x256xf32, #tpu.memory_space<hbm>> -> memref<80x256xf32, #tpu.memory_space<hbm>>
        %dma_wait3A_50 = arith.constant 0 : i32
        %dma_wait3A_51 = tpu.memref_slice %arg8[%add3A_11, %dma_wait3A_50] : memref<320000x256xf32, #tpu.memory_space<hbm>> -> memref<80x256xf32, #tpu.memory_space<hbm>>
        tpu.wait_dma2 semaphore(%run_scoped3A : memref<!tpu.dma_semaphore, #tpu.memory_space<semaphore_mem>>) src(%arg13 : memref<80x256xf32, #tpu.memory_space<vmem>>) dst(%dma_wait3A_51 : memref<80x256xf32, #tpu.memory_space<hbm>>)
        tpu.yield
      }) : () -> ()
      "tpu.region"() ({
        %run_scoped3A = tpu.sem_alloc : memref<!tpu.dma_semaphore, #tpu.memory_space<semaphore_mem>>
        %dma_start3A_44 = arith.constant 0 : i32
        %dma_start3A_45 = tpu.memref_slice %arg7[%add3A_11, %dma_start3A_44] : memref<320000x128xf32, #tpu.memory_space<hbm>> -> memref<80x128xf32, #tpu.memory_space<hbm>>
        %dma_start3A_46 = arith.constant 0 : i32
        %dma_start3A_47 = tpu.memref_slice %arg7[%add3A_11, %dma_start3A_46] : memref<320000x128xf32, #tpu.memory_space<hbm>> -> memref<80x128xf32, #tpu.memory_space<hbm>>
        tpu.enqueue_dma source(%arg12 : memref<80x128xf32, #tpu.memory_space<vmem>>) target(%dma_start3A_47 : memref<80x128xf32, #tpu.memory_space<hbm>>) target_semaphore(%run_scoped3A : memref<!tpu.dma_semaphore, #tpu.memory_space<semaphore_mem>>)
        %dma_wait3A_48 = arith.constant 0 : i32
        %dma_wait3A_49 = tpu.memref_slice %arg7[%add3A_11, %dma_wait3A_48] : memref<320000x128xf32, #tpu.memory_space<hbm>> -> memref<80x128xf32, #tpu.memory_space<hbm>>
        %dma_wait3A_50 = arith.constant 0 : i32
        %dma_wait3A_51 = tpu.memref_slice %arg7[%add3A_11, %dma_wait3A_50] : memref<320000x128xf32, #tpu.memory_space<hbm>> -> memref<80x128xf32, #tpu.memory_space<hbm>>
        tpu.wait_dma2 semaphore(%run_scoped3A : memref<!tpu.dma_semaphore, #tpu.memory_space<semaphore_mem>>) src(%arg12 : memref<80x128xf32, #tpu.memory_space<vmem>>) dst(%dma_wait3A_51 : memref<80x128xf32, #tpu.memory_space<hbm>>)
        tpu.yield
      }) : () -> ()
      "tpu.region"() ({
        %run_scoped3A = tpu.sem_alloc : memref<!tpu.dma_semaphore, #tpu.memory_space<semaphore_mem>>
        %dma_start3A_44 = tpu.memref_slice %arg9[%add3A_11] : memref<320000xf32, #tpu.memory_space<hbm>> -> memref<80xf32, #tpu.memory_space<hbm>>
        %dma_start3A_45 = tpu.memref_slice %arg9[%add3A_11] : memref<320000xf32, #tpu.memory_space<hbm>> -> memref<80xf32, #tpu.memory_space<hbm>>
        tpu.enqueue_dma source(%arg14 : memref<80xf32, #tpu.memory_space<vmem>>) target(%dma_start3A_45 : memref<80xf32, #tpu.memory_space<hbm>>) target_semaphore(%run_scoped3A : memref<!tpu.dma_semaphore, #tpu.memory_space<semaphore_mem>>)
        %dma_wait3A_46 = tpu.memref_slice %arg9[%add3A_11] : memref<320000xf32, #tpu.memory_space<hbm>> -> memref<80xf32, #tpu.memory_space<hbm>>
        %dma_wait3A_47 = tpu.memref_slice %arg9[%add3A_11] : memref<320000xf32, #tpu.memory_space<hbm>> -> memref<80xf32, #tpu.memory_space<hbm>>
        tpu.wait_dma2 semaphore(%run_scoped3A : memref<!tpu.dma_semaphore, #tpu.memory_space<semaphore_mem>>) src(%arg14 : memref<80xf32, #tpu.memory_space<vmem>>) dst(%dma_wait3A_47 : memref<80xf32, #tpu.memory_space<hbm>>)
        tpu.yield
      }) : () -> ()
    }
    %scan3A_7 = arith.constant 125 : i32
    return
  }
}

module attributes {stable_mosaic.version = 14 : i64} {
  func.func @_proj_body(%arg0: i32, %arg1: memref<2000x128xf32, #tpu.memory_space<vmem>>, %arg2: memref<128x128xf32, #tpu.memory_space<vmem>>, %arg3: memref<128x128xf32, #tpu.memory_space<vmem>>, %arg4: memref<128x128xf32, #tpu.memory_space<vmem>>, %arg5: memref<128x128xf32, #tpu.memory_space<vmem>>, %arg6: memref<1x128xf32, #tpu.memory_space<vmem>>, %arg7: memref<1x128xf32, #tpu.memory_space<vmem>>, %arg8: memref<1x128xf32, #tpu.memory_space<vmem>>, %arg9: memref<1x128xf32, #tpu.memory_space<vmem>>, %arg10: memref<2000x128xf32, #tpu.memory_space<vmem>>, %arg11: memref<2000x256xf32, #tpu.memory_space<vmem>>, %arg12: memref<2000x128xf32, #tpu.memory_space<vmem>>) attributes {dimension_semantics = [#tpu.dimension_semantics<arbitrary>], iteration_bounds = array<i64: 5>, scalar_prefetch = 0 : i64, scratch_operands = 0 : i64, tpu.core_type = #tpu.core_type<tc>, window_params = [{transform_indices = @transform_0, window_bounds = array<i64: 2000, 128>}, {pipeline_mode = #tpu.pipeline_mode<synchronous>, transform_indices = @transform_1, window_bounds = array<i64: 128, 128>}, {pipeline_mode = #tpu.pipeline_mode<synchronous>, transform_indices = @transform_2, window_bounds = array<i64: 128, 128>}, {pipeline_mode = #tpu.pipeline_mode<synchronous>, transform_indices = @transform_3, window_bounds = array<i64: 128, 128>}, {pipeline_mode = #tpu.pipeline_mode<synchronous>, transform_indices = @transform_4, window_bounds = array<i64: 128, 128>}, {pipeline_mode = #tpu.pipeline_mode<synchronous>, transform_indices = @transform_5, window_bounds = array<i64: 1, 128>}, {pipeline_mode = #tpu.pipeline_mode<synchronous>, transform_indices = @transform_6, window_bounds = array<i64: 1, 128>}, {pipeline_mode = #tpu.pipeline_mode<synchronous>, transform_indices = @transform_7, window_bounds = array<i64: 1, 128>}, {pipeline_mode = #tpu.pipeline_mode<synchronous>, transform_indices = @transform_8, window_bounds = array<i64: 1, 128>}, {transform_indices = @transform_9, window_bounds = array<i64: 2000, 128>}, {transform_indices = @transform_10, window_bounds = array<i64: 2000, 256>}, {transform_indices = @transform_11, window_bounds = array<i64: 2000, 128>}]} {
    %get3A = arith.constant 0 : index
    %get3A_0 = arith.constant 0 : index
    %get3A_1 = vector.load %arg1[%get3A, %get3A_0] : memref<2000x128xf32, #tpu.memory_space<vmem>>, vector<2000x128xf32>
    %get3A_2 = arith.constant 0 : index
    %get3A_3 = arith.constant 0 : index
    %get3A_4 = vector.load %arg2[%get3A_2, %get3A_3] : memref<128x128xf32, #tpu.memory_space<vmem>>, vector<128x128xf32>
    %dot_general3A = arith.constant dense<0.000000e+00> : vector<2000x128xf32>
    %dot_general3A_5 = tpu.matmul %get3A_1, %get3A_4, %dot_general3A {dimension_numbers = #tpu.dot_dimension_numbers<[1], [0], [0], [1], [0, 0, 1, 1], [], []>, precision = #tpu.contract_precision<fp32>, transpose_lhs_hint = false} : vector<2000x128xf32>, vector<128x128xf32>, vector<2000x128xf32> -> vector<2000x128xf32>
    %get3A_6 = arith.constant 0 : index
    %get3A_7 = arith.constant 0 : index
    %get3A_8 = vector.load %arg6[%get3A_6, %get3A_7] : memref<1x128xf32, #tpu.memory_space<vmem>>, vector<1x128xf32>
    %add3A = vector.broadcast %get3A_8 : vector<1x128xf32> to vector<2000x128xf32>
    %add3A_9 = arith.addf %dot_general3A_5, %add3A : vector<2000x128xf32>
    %swap3A = arith.constant 0 : index
    %swap3A_10 = arith.constant 0 : index
    %swap3A_11 = vector.load %arg10[%swap3A, %swap3A_10] : memref<2000x128xf32, #tpu.memory_space<vmem>>, vector<2000x128xf32>
    tpu.vector_store %arg10[%swap3A, %swap3A_10], %add3A_9 {strides = array<i32>} : memref<2000x128xf32, #tpu.memory_space<vmem>>, vector<2000x128xf32>,
    %get3A_12 = arith.constant 0 : index
    %get3A_13 = arith.constant 0 : index
    %get3A_14 = vector.load %arg3[%get3A_12, %get3A_13] : memref<128x128xf32, #tpu.memory_space<vmem>>, vector<128x128xf32>
    %dot_general3A_15 = arith.constant dense<0.000000e+00> : vector<2000x128xf32>
    %dot_general3A_16 = tpu.matmul %get3A_1, %get3A_14, %dot_general3A_15 {dimension_numbers = #tpu.dot_dimension_numbers<[1], [0], [0], [1], [0, 0, 1, 1], [], []>, precision = #tpu.contract_precision<fp32>, transpose_lhs_hint = false} : vector<2000x128xf32>, vector<128x128xf32>, vector<2000x128xf32> -> vector<2000x128xf32>
    %get3A_17 = arith.constant 0 : index
    %get3A_18 = arith.constant 0 : index
    %get3A_19 = vector.load %arg7[%get3A_17, %get3A_18] : memref<1x128xf32, #tpu.memory_space<vmem>>, vector<1x128xf32>
    %add3A_20 = vector.broadcast %get3A_19 : vector<1x128xf32> to vector<2000x128xf32>
    %add3A_21 = arith.addf %dot_general3A_16, %add3A_20 : vector<2000x128xf32>
    %swap3A_22 = arith.constant 0 : index
    %swap3A_23 = arith.constant 0 : index
    %swap3A_24 = vector.load %arg11[%swap3A_22, %swap3A_23] : memref<2000x256xf32, #tpu.memory_space<vmem>>, vector<2000x128xf32>
    tpu.vector_store %arg11[%swap3A_22, %swap3A_23], %add3A_21 {strides = array<i32>} : memref<2000x256xf32, #tpu.memory_space<vmem>>, vector<2000x128xf32>,
    %get3A_25 = arith.constant 0 : index
    %get3A_26 = arith.constant 0 : index
    %get3A_27 = vector.load %arg4[%get3A_25, %get3A_26] : memref<128x128xf32, #tpu.memory_space<vmem>>, vector<128x128xf32>
    %dot_general3A_28 = arith.constant dense<0.000000e+00> : vector<2000x128xf32>
    %dot_general3A_29 = tpu.matmul %get3A_1, %get3A_27, %dot_general3A_28 {dimension_numbers = #tpu.dot_dimension_numbers<[1], [0], [0], [1], [0, 0, 1, 1], [], []>, precision = #tpu.contract_precision<fp32>, transpose_lhs_hint = false} : vector<2000x128xf32>, vector<128x128xf32>, vector<2000x128xf32> -> vector<2000x128xf32>
    %get3A_30 = arith.constant 0 : index
    %get3A_31 = arith.constant 0 : index
    %get3A_32 = vector.load %arg8[%get3A_30, %get3A_31] : memref<1x128xf32, #tpu.memory_space<vmem>>, vector<1x128xf32>
    %add3A_33 = vector.broadcast %get3A_32 : vector<1x128xf32> to vector<2000x128xf32>
    %add3A_34 = arith.addf %dot_general3A_29, %add3A_33 : vector<2000x128xf32>
    %swap3A_35 = arith.constant 0 : index
    %swap3A_36 = arith.constant 128 : index
    %swap3A_37 = vector.load %arg11[%swap3A_35, %swap3A_36] : memref<2000x256xf32, #tpu.memory_space<vmem>>, vector<2000x128xf32>
    tpu.vector_store %arg11[%swap3A_35, %swap3A_36], %add3A_34 {strides = array<i32>} : memref<2000x256xf32, #tpu.memory_space<vmem>>, vector<2000x128xf32>,
    %get3A_38 = arith.constant 0 : index
    %get3A_39 = arith.constant 0 : index
    %get3A_40 = vector.load %arg5[%get3A_38, %get3A_39] : memref<128x128xf32, #tpu.memory_space<vmem>>, vector<128x128xf32>
    %dot_general3A_41 = arith.constant dense<0.000000e+00> : vector<2000x128xf32>
    %dot_general3A_42 = tpu.matmul %get3A_1, %get3A_40, %dot_general3A_41 {dimension_numbers = #tpu.dot_dimension_numbers<[1], [0], [0], [1], [0, 0, 1, 1], [], []>, precision = #tpu.contract_precision<fp32>, transpose_lhs_hint = false} : vector<2000x128xf32>, vector<128x128xf32>, vector<2000x128xf32> -> vector<2000x128xf32>
    %get3A_43 = arith.constant 0 : index
    %get3A_44 = arith.constant 0 : index
    %get3A_45 = vector.load %arg9[%get3A_43, %get3A_44] : memref<1x128xf32, #tpu.memory_space<vmem>>, vector<1x128xf32>
    %add3A_46 = vector.broadcast %get3A_45 : vector<1x128xf32> to vector<2000x128xf32>
    %add3A_47 = arith.addf %dot_general3A_42, %add3A_46 : vector<2000x128xf32>
    %swap3A_48 = arith.constant 0 : index
    %swap3A_49 = arith.constant 0 : index
    %swap3A_50 = vector.load %arg12[%swap3A_48, %swap3A_49] : memref<2000x128xf32, #tpu.memory_space<vmem>>, vector<2000x128xf32>
    tpu.vector_store %arg12[%swap3A_48, %swap3A_49], %add3A_47 {strides = array<i32>} : memref<2000x128xf32, #tpu.memory_space<vmem>>, vector<2000x128xf32>,
    return
  }
  func.func @transform_0(%arg0: i32) -> (i32, i32) {
    %c0_i32 = arith.constant 0 : i32
    %c0_i32_0 = arith.constant 0 : i32
    return %arg0, %c0_i32 : i32, i32
  }
  func.func @transform_1(%arg0: i32) -> (i32, i32) {
    %c0_i32 = arith.constant 0 : i32
    %c0_i32_0 = arith.constant 0 : i32
    %c0_i32_1 = arith.constant 0 : i32
    return %c0_i32, %c0_i32_0 : i32, i32
  }
  func.func @transform_2(%arg0: i32) -> (i32, i32) {
    %c0_i32 = arith.constant 0 : i32
    %c0_i32_0 = arith.constant 0 : i32
    %c0_i32_1 = arith.constant 0 : i32
    return %c0_i32, %c0_i32_0 : i32, i32
  }
  func.func @transform_3(%arg0: i32) -> (i32, i32) {
    %c0_i32 = arith.constant 0 : i32
    %c0_i32_0 = arith.constant 0 : i32
    %c0_i32_1 = arith.constant 0 : i32
    return %c0_i32, %c0_i32_0 : i32, i32
  }
  func.func @transform_4(%arg0: i32) -> (i32, i32) {
    %c0_i32 = arith.constant 0 : i32
    %c0_i32_0 = arith.constant 0 : i32
    %c0_i32_1 = arith.constant 0 : i32
    return %c0_i32, %c0_i32_0 : i32, i32
  }
  func.func @transform_5(%arg0: i32) -> (i32, i32) {
    %c0_i32 = arith.constant 0 : i32
    %c0_i32_0 = arith.constant 0 : i32
    %c0_i32_1 = arith.constant 0 : i32
    return %c0_i32, %c0_i32_0 : i32, i32
  }
  func.func @transform_6(%arg0: i32) -> (i32, i32) {
    %c0_i32 = arith.constant 0 : i32
    %c0_i32_0 = arith.constant 0 : i32
    %c0_i32_1 = arith.constant 0 : i32
    return %c0_i32, %c0_i32_0 : i32, i32
  }
  func.func @transform_7(%arg0: i32) -> (i32, i32) {
    %c0_i32 = arith.constant 0 : i32
    %c0_i32_0 = arith.constant 0 : i32
    %c0_i32_1 = arith.constant 0 : i32
    return %c0_i32, %c0_i32_0 : i32, i32
  }
  func.func @transform_8(%arg0: i32) -> (i32, i32) {
    %c0_i32 = arith.constant 0 : i32
    %c0_i32_0 = arith.constant 0 : i32
    %c0_i32_1 = arith.constant 0 : i32
    return %c0_i32, %c0_i32_0 : i32, i32
  }
  func.func @transform_9(%arg0: i32) -> (i32, i32) {
    %c0_i32 = arith.constant 0 : i32
    %c0_i32_0 = arith.constant 0 : i32
    return %arg0, %c0_i32 : i32, i32
  }
  func.func @transform_10(%arg0: i32) -> (i32, i32) {
    %c0_i32 = arith.constant 0 : i32
    %c0_i32_0 = arith.constant 0 : i32
    return %arg0, %c0_i32 : i32, i32
  }
  func.func @transform_11(%arg0: i32) -> (i32, i32) {
    %c0_i32 = arith.constant 0 : i32
    %c0_i32_0 = arith.constant 0 : i32
    return %arg0, %c0_i32 : i32, i32
  }
}

module attributes {stable_mosaic.version = 14 : i64} {
  func.func @_edge_body(%arg0: i32, %arg1: memref<2000x128xf32, #tpu.memory_space<vmem>>, %arg2: memref<2000x256xf32, #tpu.memory_space<vmem>>, %arg3: memref<2000x1xf32, #tpu.memory_space<vmem>>, %arg4: memref<2000x1xf32, #tpu.memory_space<vmem>>, %arg5: memref<2000x16xf32, #tpu.memory_space<vmem>>, %arg6: memref<1x32xf32, #tpu.memory_space<vmem>>, %arg7: memref<1x32xf32, #tpu.memory_space<vmem>>, %arg8: memref<32x128xf32, #tpu.memory_space<vmem>>, %arg9: memref<16x128xf32, #tpu.memory_space<vmem>>, %arg10: memref<2000x128xf32, #tpu.memory_space<vmem>>, %arg11: memref<2000x16xf32, #tpu.memory_space<vmem>>) attributes {dimension_semantics = [#tpu.dimension_semantics<arbitrary>], iteration_bounds = array<i64: 160>, scalar_prefetch = 0 : i64, scratch_operands = 0 : i64, tpu.core_type = #tpu.core_type<tc>, window_params = [{transform_indices = @transform_0, window_bounds = array<i64: 2000, 128>}, {transform_indices = @transform_1, window_bounds = array<i64: 2000, 256>}, {transform_indices = @transform_2, window_bounds = array<i64: 2000, 1>}, {transform_indices = @transform_3, window_bounds = array<i64: 2000, 1>}, {transform_indices = @transform_4, window_bounds = array<i64: 2000, 16>}, {pipeline_mode = #tpu.pipeline_mode<synchronous>, transform_indices = @transform_5, window_bounds = array<i64: 1, 32>}, {pipeline_mode = #tpu.pipeline_mode<synchronous>, transform_indices = @transform_6, window_bounds = array<i64: 1, 32>}, {pipeline_mode = #tpu.pipeline_mode<synchronous>, transform_indices = @transform_7, window_bounds = array<i64: 32, 128>}, {pipeline_mode = #tpu.pipeline_mode<synchronous>, transform_indices = @transform_8, window_bounds = array<i64: 16, 128>}, {transform_indices = @transform_9, window_bounds = array<i64: 2000, 128>}, {transform_indices = @transform_10, window_bounds = array<i64: 2000, 16>}]} {
    %get3A = arith.constant 0 : index
    %get3A_0 = arith.constant 0 : index
    %get3A_1 = vector.load %arg1[%get3A, %get3A_0] : memref<2000x128xf32, #tpu.memory_space<vmem>>, vector<2000x128xf32>
    %get3A_2 = arith.constant 0 : index
    %get3A_3 = arith.constant 0 : index
    %get3A_4 = vector.load %arg2[%get3A_2, %get3A_3] : memref<2000x256xf32, #tpu.memory_space<vmem>>, vector<2000x128xf32>
    %get3A_5 = arith.constant 0 : index
    %get3A_6 = arith.constant 128 : index
    %get3A_7 = vector.load %arg2[%get3A_5, %get3A_6] : memref<2000x256xf32, #tpu.memory_space<vmem>>, vector<2000x128xf32>
    %get3A_8 = arith.constant 0 : index
    %get3A_9 = arith.constant 0 : index
    %get3A_10 = vector.load %arg3[%get3A_8, %get3A_9] : memref<2000x1xf32, #tpu.memory_space<vmem>>, vector<2000x1xf32>
    %get3A_11 = arith.constant 0 : index
    %get3A_12 = arith.constant 0 : index
    %get3A_13 = vector.load %arg4[%get3A_11, %get3A_12] : memref<2000x1xf32, #tpu.memory_space<vmem>>, vector<2000x1xf32>
    %sub3A = arith.subf %get3A_10, %get3A_13 : vector<2000x1xf32>
    %get3A_14 = arith.constant 0 : index
    %get3A_15 = arith.constant 0 : index
    %get3A_16 = vector.load %arg6[%get3A_14, %get3A_15] : memref<1x32xf32, #tpu.memory_space<vmem>>, vector<1x32xf32>
    %mul3A = vector.broadcast %sub3A : vector<2000x1xf32> to vector<2000x32xf32>
    %mul3A_17 = vector.broadcast %get3A_16 : vector<1x32xf32> to vector<2000x32xf32>
    %mul3A_18 = arith.mulf %mul3A, %mul3A_17 : vector<2000x32xf32>
    %get3A_19 = arith.constant 0 : index
    %get3A_20 = arith.constant 0 : index
    %get3A_21 = vector.load %arg7[%get3A_19, %get3A_20] : memref<1x32xf32, #tpu.memory_space<vmem>>, vector<1x32xf32>
    %add3A = vector.broadcast %get3A_21 : vector<1x32xf32> to vector<2000x32xf32>
    %add3A_22 = arith.addf %mul3A_18, %add3A : vector<2000x32xf32>
    %cos3A = math.cos %add3A_22 : vector<2000x32xf32>
    %get3A_23 = arith.constant 0 : index
    %get3A_24 = arith.constant 0 : index
    %get3A_25 = vector.load %arg8[%get3A_23, %get3A_24] : memref<32x128xf32, #tpu.memory_space<vmem>>, vector<32x128xf32>
    %dot_general3A = arith.constant dense<0.000000e+00> : vector<2000x128xf32>
    %dot_general3A_26 = tpu.matmul %cos3A, %get3A_25, %dot_general3A {dimension_numbers = #tpu.dot_dimension_numbers<[1], [0], [0], [1], [0, 0, 1, 1], [], []>, precision = #tpu.contract_precision<fp32>, transpose_lhs_hint = false} : vector<2000x32xf32>, vector<32x128xf32>, vector<2000x128xf32> -> vector<2000x128xf32>
    %get3A_27 = arith.constant 0 : index
    %get3A_28 = arith.constant 0 : index
    %get3A_29 = vector.load %arg5[%get3A_27, %get3A_28] : memref<2000x16xf32, #tpu.memory_space<vmem>>, vector<2000x16xf32>
    %get3A_30 = arith.constant 0 : index
    %get3A_31 = arith.constant 0 : index
    %get3A_32 = vector.load %arg9[%get3A_30, %get3A_31] : memref<16x128xf32, #tpu.memory_space<vmem>>, vector<16x128xf32>
    %dot_general3A_33 = arith.constant dense<0.000000e+00> : vector<2000x128xf32>
    %dot_general3A_34 = tpu.matmul %get3A_29, %get3A_32, %dot_general3A_33 {dimension_numbers = #tpu.dot_dimension_numbers<[1], [0], [0], [1], [0, 0, 1, 1], [], []>, precision = #tpu.contract_precision<fp32>, transpose_lhs_hint = false} : vector<2000x16xf32>, vector<16x128xf32>, vector<2000x128xf32> -> vector<2000x128xf32>
    %add3A_35 = arith.addf %dot_general3A_26, %dot_general3A_34 : vector<2000x128xf32>
    %iota3A = tpu.iota {dimensions = array<i32: 0>} : vector<128x8xi32>
    %jit3A = arith.constant 16 : i32
    %div3A = vector.broadcast %jit3A : i32 to vector<128x8xi32>
    %div3A_36 = arith.divsi %iota3A, %div3A : vector<128x8xi32>
    %sign3A = arith.constant 0 : i32
    %sign3A_37 = vector.broadcast %sign3A : i32 to vector<128x8xi32>
    %sign3A_38 = arith.cmpi sgt, %iota3A, %sign3A_37 : vector<128x8xi32>
    %sign3A_39 = arith.extui %sign3A_38 : vector<128x8xi1> to vector<128x8xi32>
    %sign3A_40 = arith.constant 0 : i32
    %sign3A_41 = vector.broadcast %sign3A_40 : i32 to vector<128x8xi32>
    %sign3A_42 = arith.cmpi slt, %iota3A, %sign3A_41 : vector<128x8xi32>
    %sign3A_43 = arith.extui %sign3A_42 : vector<128x8xi1> to vector<128x8xi32>
    %sign3A_44 = arith.subi %sign3A_39, %sign3A_43 : vector<128x8xi32>
    %sign3A_45 = arith.constant 0 : i32
    %sign3A_46 = arith.cmpi sgt, %jit3A, %sign3A_45 : i32
    %sign3A_47 = arith.extui %sign3A_46 : i1 to i32
    %sign3A_48 = arith.constant 0 : i32
    %sign3A_49 = arith.cmpi slt, %jit3A, %sign3A_48 : i32
    %sign3A_50 = arith.extui %sign3A_49 : i1 to i32
    %sign3A_51 = arith.subi %sign3A_47, %sign3A_50 : i32
    %ne3A = vector.broadcast %sign3A_51 : i32 to vector<128x8xi32>
    %ne3A_52 = arith.cmpi ne, %sign3A_44, %ne3A : vector<128x8xi32>
    %rem3A = vector.broadcast %jit3A : i32 to vector<128x8xi32>
    %rem3A_53 = arith.remsi %iota3A, %rem3A : vector<128x8xi32>
    %ne3A_54 = arith.constant 0 : i32
    %ne3A_55 = vector.broadcast %ne3A_54 : i32 to vector<128x8xi32>
    %ne3A_56 = arith.cmpi ne, %rem3A_53, %ne3A_55 : vector<128x8xi32>
    %and3A = arith.andi %ne3A_52, %ne3A_56 : vector<128x8xi1>
    %sub3A_57 = arith.constant 1 : i32
    %sub3A_58 = vector.broadcast %sub3A_57 : i32 to vector<128x8xi32>
    %sub3A_59 = arith.subi %div3A_36, %sub3A_58 : vector<128x8xi32>
    %select_n3A = arith.select %and3A, %sub3A_59, %div3A_36 : vector<128x8xi1>, vector<128x8xi32>
    %iota3A_60 = tpu.iota {dimensions = array<i32: 1>} : vector<128x8xi32>
    %eq3A = arith.cmpi eq, %select_n3A, %iota3A_60 : vector<128x8xi32>
    %convert_element_type3A = arith.extui %eq3A : vector<128x8xi1> to vector<128x8xi32>
    %convert_element_type3A_61 = arith.sitofp %convert_element_type3A : vector<128x8xi32> to vector<128x8xf32>
    %add3A_62 = arith.addf %get3A_4, %add3A_35 : vector<2000x128xf32>
    %mul3A_63 = arith.mulf %get3A_1, %add3A_62 : vector<2000x128xf32>
    %dot_general3A_64 = arith.constant dense<0.000000e+00> : vector<2000x8xf32>
    %dot_general3A_65 = tpu.matmul %mul3A_63, %convert_element_type3A_61, %dot_general3A_64 {dimension_numbers = #tpu.dot_dimension_numbers<[1], [0], [0], [1], [0, 0, 1, 1], [], []>, precision = #tpu.contract_precision<fp32>, transpose_lhs_hint = false} : vector<2000x128xf32>, vector<128x8xf32>, vector<2000x8xf32> -> vector<2000x8xf32>
    %mul3A_66 = arith.constant 2.500000e-01 : f32
    %mul3A_67 = vector.broadcast %mul3A_66 : f32 to vector<2000x8xf32>
    %mul3A_68 = arith.mulf %dot_general3A_65, %mul3A_67 : vector<2000x8xf32>
    %exp3A = math.exp %mul3A_68 : vector<2000x8xf32>
    %iota3A_69 = tpu.iota {dimensions = array<i32: 0>} : vector<8x128xi32>
    %iota3A_70 = tpu.iota {dimensions = array<i32: 1>} : vector<8x128xi32>
    %jit3A_71 = arith.constant 16 : i32
    %div3A_72 = vector.broadcast %jit3A_71 : i32 to vector<8x128xi32>
    %div3A_73 = arith.divsi %iota3A_70, %div3A_72 : vector<8x128xi32>
    %sign3A_74 = arith.constant 0 : i32
    %sign3A_75 = vector.broadcast %sign3A_74 : i32 to vector<8x128xi32>
    %sign3A_76 = arith.cmpi sgt, %iota3A_70, %sign3A_75 : vector<8x128xi32>
    %sign3A_77 = arith.extui %sign3A_76 : vector<8x128xi1> to vector<8x128xi32>
    %sign3A_78 = arith.constant 0 : i32
    %sign3A_79 = vector.broadcast %sign3A_78 : i32 to vector<8x128xi32>
    %sign3A_80 = arith.cmpi slt, %iota3A_70, %sign3A_79 : vector<8x128xi32>
    %sign3A_81 = arith.extui %sign3A_80 : vector<8x128xi1> to vector<8x128xi32>
    %sign3A_82 = arith.subi %sign3A_77, %sign3A_81 : vector<8x128xi32>
    %sign3A_83 = arith.constant 0 : i32
    %sign3A_84 = arith.cmpi sgt, %jit3A_71, %sign3A_83 : i32
    %sign3A_85 = arith.extui %sign3A_84 : i1 to i32
    %sign3A_86 = arith.constant 0 : i32
    %sign3A_87 = arith.cmpi slt, %jit3A_71, %sign3A_86 : i32
    %sign3A_88 = arith.extui %sign3A_87 : i1 to i32
    %sign3A_89 = arith.subi %sign3A_85, %sign3A_88 : i32
    %ne3A_90 = vector.broadcast %sign3A_89 : i32 to vector<8x128xi32>
    %ne3A_91 = arith.cmpi ne, %sign3A_82, %ne3A_90 : vector<8x128xi32>
    %rem3A_92 = vector.broadcast %jit3A_71 : i32 to vector<8x128xi32>
    %rem3A_93 = arith.remsi %iota3A_70, %rem3A_92 : vector<8x128xi32>
    %ne3A_94 = arith.constant 0 : i32
    %ne3A_95 = vector.broadcast %ne3A_94 : i32 to vector<8x128xi32>
    %ne3A_96 = arith.cmpi ne, %rem3A_93, %ne3A_95 : vector<8x128xi32>
    %and3A_97 = arith.andi %ne3A_91, %ne3A_96 : vector<8x128xi1>
    %sub3A_98 = arith.constant 1 : i32
    %sub3A_99 = vector.broadcast %sub3A_98 : i32 to vector<8x128xi32>
    %sub3A_100 = arith.subi %div3A_73, %sub3A_99 : vector<8x128xi32>
    %select_n3A_101 = arith.select %and3A_97, %sub3A_100, %div3A_73 : vector<8x128xi1>, vector<8x128xi32>
    %eq3A_102 = arith.cmpi eq, %iota3A_69, %select_n3A_101 : vector<8x128xi32>
    %convert_element_type3A_103 = arith.extui %eq3A_102 : vector<8x128xi1> to vector<8x128xi32>
    %convert_element_type3A_104 = arith.sitofp %convert_element_type3A_103 : vector<8x128xi32> to vector<8x128xf32>
    %dot_general3A_105 = arith.constant dense<0.000000e+00> : vector<2000x128xf32>
    %dot_general3A_106 = tpu.matmul %exp3A, %convert_element_type3A_104, %dot_general3A_105 {dimension_numbers = #tpu.dot_dimension_numbers<[1], [0], [0], [1], [0, 0, 1, 1], [], []>, precision = #tpu.contract_precision<fp32>, transpose_lhs_hint = false} : vector<2000x8xf32>, vector<8x128xf32>, vector<2000x128xf32> -> vector<2000x128xf32>
    %add3A_107 = arith.addf %get3A_7, %add3A_35 : vector<2000x128xf32>
    %mul3A_108 = arith.mulf %add3A_107, %dot_general3A_106 : vector<2000x128xf32>
    %swap3A = arith.constant 0 : index
    %swap3A_109 = arith.constant 0 : index
    %swap3A_110 = vector.load %arg10[%swap3A, %swap3A_109] : memref<2000x128xf32, #tpu.memory_space<vmem>>, vector<2000x128xf32>
    tpu.vector_store %arg10[%swap3A, %swap3A_109], %mul3A_108 {strides = array<i32>} : memref<2000x128xf32, #tpu.memory_space<vmem>>, vector<2000x128xf32>,
    %iota3A_111 = tpu.iota {dimensions = array<i32: 0>} : vector<8x16xi32>
    %iota3A_112 = tpu.iota {dimensions = array<i32: 1>} : vector<8x16xi32>
    %eq3A_113 = arith.cmpi eq, %iota3A_111, %iota3A_112 : vector<8x16xi32>
    %convert_element_type3A_114 = arith.extui %eq3A_113 : vector<8x16xi1> to vector<8x16xi32>
    %convert_element_type3A_115 = arith.sitofp %convert_element_type3A_114 : vector<8x16xi32> to vector<8x16xf32>
    %dot_general3A_116 = arith.constant dense<0.000000e+00> : vector<2000x16xf32>
    %dot_general3A_117 = tpu.matmul %exp3A, %convert_element_type3A_115, %dot_general3A_116 {dimension_numbers = #tpu.dot_dimension_numbers<[1], [0], [0], [1], [0, 0, 1, 1], [], []>, precision = #tpu.contract_precision<fp32>, transpose_lhs_hint = false} : vector<2000x8xf32>, vector<8x16xf32>, vector<2000x16xf32> -> vector<2000x16xf32>
    %swap3A_118 = arith.constant 0 : index
    %swap3A_119 = arith.constant 0 : index
    %swap3A_120 = vector.load %arg11[%swap3A_118, %swap3A_119] : memref<2000x16xf32, #tpu.memory_space<vmem>>, vector<2000x16xf32>
    tpu.vector_store %arg11[%swap3A_118, %swap3A_119], %dot_general3A_117 {strides = array<i32>} : memref<2000x16xf32, #tpu.memory_space<vmem>>, vector<2000x16xf32>,
    return
  }
  func.func @transform_0(%arg0: i32) -> (i32, i32) {
    %c0_i32 = arith.constant 0 : i32
    %c0_i32_0 = arith.constant 0 : i32
    return %arg0, %c0_i32 : i32, i32
  }
  func.func @transform_1(%arg0: i32) -> (i32, i32) {
    %c0_i32 = arith.constant 0 : i32
    %c0_i32_0 = arith.constant 0 : i32
    return %arg0, %c0_i32 : i32, i32
  }
  func.func @transform_2(%arg0: i32) -> (i32, i32) {
    %c0_i32 = arith.constant 0 : i32
    %c0_i32_0 = arith.constant 0 : i32
    return %arg0, %c0_i32 : i32, i32
  }
  func.func @transform_3(%arg0: i32) -> (i32, i32) {
    %c0_i32 = arith.constant 0 : i32
    %c0_i32_0 = arith.constant 0 : i32
    return %arg0, %c0_i32 : i32, i32
  }
  func.func @transform_4(%arg0: i32) -> (i32, i32) {
    %c0_i32 = arith.constant 0 : i32
    %c0_i32_0 = arith.constant 0 : i32
    return %arg0, %c0_i32 : i32, i32
  }
  func.func @transform_5(%arg0: i32) -> (i32, i32) {
    %c0_i32 = arith.constant 0 : i32
    %c0_i32_0 = arith.constant 0 : i32
    %c0_i32_1 = arith.constant 0 : i32
    return %c0_i32, %c0_i32_0 : i32, i32
  }
  func.func @transform_6(%arg0: i32) -> (i32, i32) {
    %c0_i32 = arith.constant 0 : i32
    %c0_i32_0 = arith.constant 0 : i32
    %c0_i32_1 = arith.constant 0 : i32
    return %c0_i32, %c0_i32_0 : i32, i32
  }
  func.func @transform_7(%arg0: i32) -> (i32, i32) {
    %c0_i32 = arith.constant 0 : i32
    %c0_i32_0 = arith.constant 0 : i32
    %c0_i32_1 = arith.constant 0 : i32
    return %c0_i32, %c0_i32_0 : i32, i32
  }
  func.func @transform_8(%arg0: i32) -> (i32, i32) {
    %c0_i32 = arith.constant 0 : i32
    %c0_i32_0 = arith.constant 0 : i32
    %c0_i32_1 = arith.constant 0 : i32
    return %c0_i32, %c0_i32_0 : i32, i32
  }
  func.func @transform_9(%arg0: i32) -> (i32, i32) {
    %c0_i32 = arith.constant 0 : i32
    %c0_i32_0 = arith.constant 0 : i32
    return %arg0, %c0_i32 : i32, i32
  }
  func.func @transform_10(%arg0: i32) -> (i32, i32) {
    %c0_i32 = arith.constant 0 : i32
    %c0_i32_0 = arith.constant 0 : i32
    return %arg0, %c0_i32 : i32, i32
  }
}

module attributes {stable_mosaic.version = 14 : i64} {
  func.func @_segsum_body(%arg0: i32, %arg1: memref<1x1x2000xi32, #tpu.memory_space<vmem>>, %arg2: memref<2000x128xf32, #tpu.memory_space<vmem>>, %arg3: memref<2000x16xf32, #tpu.memory_space<vmem>>, %arg4: memref<10000x128xf32, #tpu.memory_space<vmem>>, %arg5: memref<10000x16xf32, #tpu.memory_space<vmem>>) attributes {dimension_semantics = [#tpu.dimension_semantics<arbitrary>], iteration_bounds = array<i64: 160>, scalar_prefetch = 0 : i64, scratch_operands = 0 : i64, tpu.core_type = #tpu.core_type<tc>, window_params = [{transform_indices = @transform_0, window_bounds = array<i64: 1, 1, 2000>}, {transform_indices = @transform_1, window_bounds = array<i64: 2000, 128>}, {transform_indices = @transform_2, window_bounds = array<i64: 2000, 16>}, {pipeline_mode = #tpu.pipeline_mode<synchronous>, transform_indices = @transform_3, window_bounds = array<i64: 10000, 128>}, {pipeline_mode = #tpu.pipeline_mode<synchronous>, transform_indices = @transform_4, window_bounds = array<i64: 10000, 16>}]} {
    %eq3A = arith.constant 0 : i32
    %eq3A_0 = arith.cmpi eq, %arg0, %eq3A : i32
    %convert_element_type3A = arith.extui %eq3A_0 : i1 to i32
    %cond3A = arith.constant 0 : i32
    %cond3A_1 = arith.cmpi ne, %convert_element_type3A, %cond3A : i32
    scf.if %cond3A_1 {
      %broadcast_in_dim3A = arith.constant 0.000000e+00 : f32
      %broadcast_in_dim3A_280 = vector.broadcast %broadcast_in_dim3A : f32 to vector<10000x128xf32>
      %swap3A_281 = arith.constant 0 : index
      %swap3A_282 = arith.constant 0 : index
      %swap3A_283 = vector.load %arg4[%swap3A_281, %swap3A_282] : memref<10000x128xf32, #tpu.memory_space<vmem>>, vector<10000x128xf32>
      tpu.vector_store %arg4[%swap3A_281, %swap3A_282], %broadcast_in_dim3A_280 {strides = array<i32>} : memref<10000x128xf32, #tpu.memory_space<vmem>>, vector<10000x128xf32>,
      %broadcast_in_dim3A_284 = arith.constant 0.000000e+00 : f32
      %broadcast_in_dim3A_285 = vector.broadcast %broadcast_in_dim3A_284 : f32 to vector<10000x16xf32>
      %swap3A_286 = arith.constant 0 : index
      %swap3A_287 = arith.constant 0 : index
      %swap3A_288 = vector.load %arg5[%swap3A_286, %swap3A_287] : memref<10000x16xf32, #tpu.memory_space<vmem>>, vector<10000x16xf32>
      tpu.vector_store %arg5[%swap3A_286, %swap3A_287], %broadcast_in_dim3A_285 {strides = array<i32>} : memref<10000x16xf32, #tpu.memory_space<vmem>>, vector<10000x16xf32>,
    } else {
    }
    %get3A = arith.constant 0 : index
    %get3A_2 = arith.constant 0 : index
    %get3A_3 = vector.load %arg2[%get3A, %get3A_2] : memref<2000x128xf32, #tpu.memory_space<vmem>>, vector<2000x128xf32>
    %convert_element_type3A_4 = arith.truncf %get3A_3 : vector<2000x128xf32> to vector<2000x128xbf16>
    %get3A_5 = arith.constant 0 : index
    %get3A_6 = arith.constant 0 : index
    %get3A_7 = vector.load %arg3[%get3A_5, %get3A_6] : memref<2000x16xf32, #tpu.memory_space<vmem>>, vector<2000x16xf32>
    %convert_element_type3A_8 = arith.truncf %get3A_7 : vector<2000x16xf32> to vector<2000x16xbf16>
    %get3A_9 = arith.constant 0 : index
    %get3A_10 = arith.constant 0 : index
    %get3A_11 = arith.constant 0 : index
    %get3A_12 = vector.load %arg1[%get3A_9, %get3A_10, %get3A_11] : memref<1x1x2000xi32, #tpu.memory_space<vmem>>, vector<1x1x2000xi32>
    %get3A_13 = vector.shape_cast %get3A_12 : vector<1x1x2000xi32> to vector<1x2000xi32>
    %iota3A = tpu.iota {dimensions = array<i32: 0>} : vector<1000x2000xi32>
    %add3A = arith.constant 0 : i32
    %add3A_14 = vector.broadcast %add3A : i32 to vector<1000x2000xi32>
    %add3A_15 = arith.addi %add3A_14, %iota3A : vector<1000x2000xi32>
    %eq3A_16 = vector.broadcast %get3A_13 : vector<1x2000xi32> to vector<1000x2000xi32>
    %eq3A_17 = arith.cmpi eq, %add3A_15, %eq3A_16 : vector<1000x2000xi32>
    %convert_element_type3A_18 = arith.extui %eq3A_17 : vector<1000x2000xi1> to vector<1000x2000xi32>
    %convert_element_type3A_19 = arith.sitofp %convert_element_type3A_18 : vector<1000x2000xi32> to vector<1000x2000xf32>
    %convert_element_type3A_20 = arith.truncf %convert_element_type3A_19 : vector<1000x2000xf32> to vector<1000x2000xbf16>
    %get3A_21 = arith.constant 0 : index
    %get3A_22 = arith.constant 0 : index
    %get3A_23 = vector.load %arg4[%get3A_21, %get3A_22] : memref<10000x128xf32, #tpu.memory_space<vmem>>, vector<1000x128xf32>
    %dot_general3A = arith.constant dense<0.000000e+00> : vector<1000x128xf32>
    %dot_general3A_24 = tpu.matmul %convert_element_type3A_20, %convert_element_type3A_4, %dot_general3A {dimension_numbers = #tpu.dot_dimension_numbers<[1], [0], [0], [1], [0, 0, 1, 1], [], []>, transpose_lhs_hint = false} : vector<1000x2000xbf16>, vector<2000x128xbf16>, vector<1000x128xf32> -> vector<1000x128xf32>
    %add3A_25 = arith.addf %get3A_23, %dot_general3A_24 : vector<1000x128xf32>
    %swap3A = arith.constant 0 : index
    %swap3A_26 = arith.constant 0 : index
    %swap3A_27 = vector.load %arg4[%swap3A, %swap3A_26] : memref<10000x128xf32, #tpu.memory_space<vmem>>, vector<1000x128xf32>
    tpu.vector_store %arg4[%swap3A, %swap3A_26], %add3A_25 {strides = array<i32>} : memref<10000x128xf32, #tpu.memory_space<vmem>>, vector<1000x128xf32>,
    %get3A_28 = arith.constant 0 : index
    %get3A_29 = arith.constant 0 : index
    %get3A_30 = vector.load %arg5[%get3A_28, %get3A_29] : memref<10000x16xf32, #tpu.memory_space<vmem>>, vector<1000x16xf32>
    %dot_general3A_31 = arith.constant dense<0.000000e+00> : vector<1000x16xf32>
    %dot_general3A_32 = tpu.matmul %convert_element_type3A_20, %convert_element_type3A_8, %dot_general3A_31 {dimension_numbers = #tpu.dot_dimension_numbers<[1], [0], [0], [1], [0, 0, 1, 1], [], []>, transpose_lhs_hint = false} : vector<1000x2000xbf16>, vector<2000x16xbf16>, vector<1000x16xf32> -> vector<1000x16xf32>
    %add3A_33 = arith.addf %get3A_30, %dot_general3A_32 : vector<1000x16xf32>
    %swap3A_34 = arith.constant 0 : index
    %swap3A_35 = arith.constant 0 : index
    %swap3A_36 = vector.load %arg5[%swap3A_34, %swap3A_35] : memref<10000x16xf32, #tpu.memory_space<vmem>>, vector<1000x16xf32>
    tpu.vector_store %arg5[%swap3A_34, %swap3A_35], %add3A_33 {strides = array<i32>} : memref<10000x16xf32, #tpu.memory_space<vmem>>, vector<1000x16xf32>,
    %iota3A_37 = tpu.iota {dimensions = array<i32: 0>} : vector<1000x2000xi32>
    %add3A_38 = arith.constant 1000 : i32
    %add3A_39 = vector.broadcast %add3A_38 : i32 to vector<1000x2000xi32>
    %add3A_40 = arith.addi %add3A_39, %iota3A_37 : vector<1000x2000xi32>
    %eq3A_41 = vector.broadcast %get3A_13 : vector<1x2000xi32> to vector<1000x2000xi32>
    %eq3A_42 = arith.cmpi eq, %add3A_40, %eq3A_41 : vector<1000x2000xi32>
    %convert_element_type3A_43 = arith.extui %eq3A_42 : vector<1000x2000xi1> to vector<1000x2000xi32>
    %convert_element_type3A_44 = arith.sitofp %convert_element_type3A_43 : vector<1000x2000xi32> to vector<1000x2000xf32>
    %convert_element_type3A_45 = arith.truncf %convert_element_type3A_44 : vector<1000x2000xf32> to vector<1000x2000xbf16>
    %get3A_46 = arith.constant 1000 : index
    %get3A_47 = arith.constant 0 : index
    %get3A_48 = vector.load %arg4[%get3A_46, %get3A_47] : memref<10000x128xf32, #tpu.memory_space<vmem>>, vector<1000x128xf32>
    %dot_general3A_49 = arith.constant dense<0.000000e+00> : vector<1000x128xf32>
    %dot_general3A_50 = tpu.matmul %convert_element_type3A_45, %convert_element_type3A_4, %dot_general3A_49 {dimension_numbers = #tpu.dot_dimension_numbers<[1], [0], [0], [1], [0, 0, 1, 1], [], []>, transpose_lhs_hint = false} : vector<1000x2000xbf16>, vector<2000x128xbf16>, vector<1000x128xf32> -> vector<1000x128xf32>
    %add3A_51 = arith.addf %get3A_48, %dot_general3A_50 : vector<1000x128xf32>
    %swap3A_52 = arith.constant 1000 : index
    %swap3A_53 = arith.constant 0 : index
    %swap3A_54 = vector.load %arg4[%swap3A_52, %swap3A_53] : memref<10000x128xf32, #tpu.memory_space<vmem>>, vector<1000x128xf32>
    tpu.vector_store %arg4[%swap3A_52, %swap3A_53], %add3A_51 {strides = array<i32>} : memref<10000x128xf32, #tpu.memory_space<vmem>>, vector<1000x128xf32>,
    %get3A_55 = arith.constant 1000 : index
    %get3A_56 = arith.constant 0 : index
    %get3A_57 = vector.load %arg5[%get3A_55, %get3A_56] : memref<10000x16xf32, #tpu.memory_space<vmem>>, vector<1000x16xf32>
    %dot_general3A_58 = arith.constant dense<0.000000e+00> : vector<1000x16xf32>
    %dot_general3A_59 = tpu.matmul %convert_element_type3A_45, %convert_element_type3A_8, %dot_general3A_58 {dimension_numbers = #tpu.dot_dimension_numbers<[1], [0], [0], [1], [0, 0, 1, 1], [], []>, transpose_lhs_hint = false} : vector<1000x2000xbf16>, vector<2000x16xbf16>, vector<1000x16xf32> -> vector<1000x16xf32>
    %add3A_60 = arith.addf %get3A_57, %dot_general3A_59 : vector<1000x16xf32>
    %swap3A_61 = arith.constant 1000 : index
    %swap3A_62 = arith.constant 0 : index
    %swap3A_63 = vector.load %arg5[%swap3A_61, %swap3A_62] : memref<10000x16xf32, #tpu.memory_space<vmem>>, vector<1000x16xf32>
    tpu.vector_store %arg5[%swap3A_61, %swap3A_62], %add3A_60 {strides = array<i32>} : memref<10000x16xf32, #tpu.memory_space<vmem>>, vector<1000x16xf32>,
    %iota3A_64 = tpu.iota {dimensions = array<i32: 0>} : vector<1000x2000xi32>
    %add3A_65 = arith.constant 2000 : i32
    %add3A_66 = vector.broadcast %add3A_65 : i32 to vector<1000x2000xi32>
    %add3A_67 = arith.addi %add3A_66, %iota3A_64 : vector<1000x2000xi32>
    %eq3A_68 = vector.broadcast %get3A_13 : vector<1x2000xi32> to vector<1000x2000xi32>
    %eq3A_69 = arith.cmpi eq, %add3A_67, %eq3A_68 : vector<1000x2000xi32>
    %convert_element_type3A_70 = arith.extui %eq3A_69 : vector<1000x2000xi1> to vector<1000x2000xi32>
    %convert_element_type3A_71 = arith.sitofp %convert_element_type3A_70 : vector<1000x2000xi32> to vector<1000x2000xf32>
    %convert_element_type3A_72 = arith.truncf %convert_element_type3A_71 : vector<1000x2000xf32> to vector<1000x2000xbf16>
    %get3A_73 = arith.constant 2000 : index
    %get3A_74 = arith.constant 0 : index
    %get3A_75 = vector.load %arg4[%get3A_73, %get3A_74] : memref<10000x128xf32, #tpu.memory_space<vmem>>, vector<1000x128xf32>
    %dot_general3A_76 = arith.constant dense<0.000000e+00> : vector<1000x128xf32>
    %dot_general3A_77 = tpu.matmul %convert_element_type3A_72, %convert_element_type3A_4, %dot_general3A_76 {dimension_numbers = #tpu.dot_dimension_numbers<[1], [0], [0], [1], [0, 0, 1, 1], [], []>, transpose_lhs_hint = false} : vector<1000x2000xbf16>, vector<2000x128xbf16>, vector<1000x128xf32> -> vector<1000x128xf32>
    %add3A_78 = arith.addf %get3A_75, %dot_general3A_77 : vector<1000x128xf32>
    %swap3A_79 = arith.constant 2000 : index
    %swap3A_80 = arith.constant 0 : index
    %swap3A_81 = vector.load %arg4[%swap3A_79, %swap3A_80] : memref<10000x128xf32, #tpu.memory_space<vmem>>, vector<1000x128xf32>
    tpu.vector_store %arg4[%swap3A_79, %swap3A_80], %add3A_78 {strides = array<i32>} : memref<10000x128xf32, #tpu.memory_space<vmem>>, vector<1000x128xf32>,
    %get3A_82 = arith.constant 2000 : index
    %get3A_83 = arith.constant 0 : index
    %get3A_84 = vector.load %arg5[%get3A_82, %get3A_83] : memref<10000x16xf32, #tpu.memory_space<vmem>>, vector<1000x16xf32>
    %dot_general3A_85 = arith.constant dense<0.000000e+00> : vector<1000x16xf32>
    %dot_general3A_86 = tpu.matmul %convert_element_type3A_72, %convert_element_type3A_8, %dot_general3A_85 {dimension_numbers = #tpu.dot_dimension_numbers<[1], [0], [0], [1], [0, 0, 1, 1], [], []>, transpose_lhs_hint = false} : vector<1000x2000xbf16>, vector<2000x16xbf16>, vector<1000x16xf32> -> vector<1000x16xf32>
    %add3A_87 = arith.addf %get3A_84, %dot_general3A_86 : vector<1000x16xf32>
    %swap3A_88 = arith.constant 2000 : index
    %swap3A_89 = arith.constant 0 : index
    %swap3A_90 = vector.load %arg5[%swap3A_88, %swap3A_89] : memref<10000x16xf32, #tpu.memory_space<vmem>>, vector<1000x16xf32>
    tpu.vector_store %arg5[%swap3A_88, %swap3A_89], %add3A_87 {strides = array<i32>} : memref<10000x16xf32, #tpu.memory_space<vmem>>, vector<1000x16xf32>,
    %iota3A_91 = tpu.iota {dimensions = array<i32: 0>} : vector<1000x2000xi32>
    %add3A_92 = arith.constant 3000 : i32
    %add3A_93 = vector.broadcast %add3A_92 : i32 to vector<1000x2000xi32>
    %add3A_94 = arith.addi %add3A_93, %iota3A_91 : vector<1000x2000xi32>
    %eq3A_95 = vector.broadcast %get3A_13 : vector<1x2000xi32> to vector<1000x2000xi32>
    %eq3A_96 = arith.cmpi eq, %add3A_94, %eq3A_95 : vector<1000x2000xi32>
    %convert_element_type3A_97 = arith.extui %eq3A_96 : vector<1000x2000xi1> to vector<1000x2000xi32>
    %convert_element_type3A_98 = arith.sitofp %convert_element_type3A_97 : vector<1000x2000xi32> to vector<1000x2000xf32>
    %convert_element_type3A_99 = arith.truncf %convert_element_type3A_98 : vector<1000x2000xf32> to vector<1000x2000xbf16>
    %get3A_100 = arith.constant 3000 : index
    %get3A_101 = arith.constant 0 : index
    %get3A_102 = vector.load %arg4[%get3A_100, %get3A_101] : memref<10000x128xf32, #tpu.memory_space<vmem>>, vector<1000x128xf32>
    %dot_general3A_103 = arith.constant dense<0.000000e+00> : vector<1000x128xf32>
    %dot_general3A_104 = tpu.matmul %convert_element_type3A_99, %convert_element_type3A_4, %dot_general3A_103 {dimension_numbers = #tpu.dot_dimension_numbers<[1], [0], [0], [1], [0, 0, 1, 1], [], []>, transpose_lhs_hint = false} : vector<1000x2000xbf16>, vector<2000x128xbf16>, vector<1000x128xf32> -> vector<1000x128xf32>
    %add3A_105 = arith.addf %get3A_102, %dot_general3A_104 : vector<1000x128xf32>
    %swap3A_106 = arith.constant 3000 : index
    %swap3A_107 = arith.constant 0 : index
    %swap3A_108 = vector.load %arg4[%swap3A_106, %swap3A_107] : memref<10000x128xf32, #tpu.memory_space<vmem>>, vector<1000x128xf32>
    tpu.vector_store %arg4[%swap3A_106, %swap3A_107], %add3A_105 {strides = array<i32>} : memref<10000x128xf32, #tpu.memory_space<vmem>>, vector<1000x128xf32>,
    %get3A_109 = arith.constant 3000 : index
    %get3A_110 = arith.constant 0 : index
    %get3A_111 = vector.load %arg5[%get3A_109, %get3A_110] : memref<10000x16xf32, #tpu.memory_space<vmem>>, vector<1000x16xf32>
    %dot_general3A_112 = arith.constant dense<0.000000e+00> : vector<1000x16xf32>
    %dot_general3A_113 = tpu.matmul %convert_element_type3A_99, %convert_element_type3A_8, %dot_general3A_112 {dimension_numbers = #tpu.dot_dimension_numbers<[1], [0], [0], [1], [0, 0, 1, 1], [], []>, transpose_lhs_hint = false} : vector<1000x2000xbf16>, vector<2000x16xbf16>, vector<1000x16xf32> -> vector<1000x16xf32>
    %add3A_114 = arith.addf %get3A_111, %dot_general3A_113 : vector<1000x16xf32>
    %swap3A_115 = arith.constant 3000 : index
    %swap3A_116 = arith.constant 0 : index
    %swap3A_117 = vector.load %arg5[%swap3A_115, %swap3A_116] : memref<10000x16xf32, #tpu.memory_space<vmem>>, vector<1000x16xf32>
    tpu.vector_store %arg5[%swap3A_115, %swap3A_116], %add3A_114 {strides = array<i32>} : memref<10000x16xf32, #tpu.memory_space<vmem>>, vector<1000x16xf32>,
    %iota3A_118 = tpu.iota {dimensions = array<i32: 0>} : vector<1000x2000xi32>
    %add3A_119 = arith.constant 4000 : i32
    %add3A_120 = vector.broadcast %add3A_119 : i32 to vector<1000x2000xi32>
    %add3A_121 = arith.addi %add3A_120, %iota3A_118 : vector<1000x2000xi32>
    %eq3A_122 = vector.broadcast %get3A_13 : vector<1x2000xi32> to vector<1000x2000xi32>
    %eq3A_123 = arith.cmpi eq, %add3A_121, %eq3A_122 : vector<1000x2000xi32>
    %convert_element_type3A_124 = arith.extui %eq3A_123 : vector<1000x2000xi1> to vector<1000x2000xi32>
    %convert_element_type3A_125 = arith.sitofp %convert_element_type3A_124 : vector<1000x2000xi32> to vector<1000x2000xf32>
    %convert_element_type3A_126 = arith.truncf %convert_element_type3A_125 : vector<1000x2000xf32> to vector<1000x2000xbf16>
    %get3A_127 = arith.constant 4000 : index
    %get3A_128 = arith.constant 0 : index
    %get3A_129 = vector.load %arg4[%get3A_127, %get3A_128] : memref<10000x128xf32, #tpu.memory_space<vmem>>, vector<1000x128xf32>
    %dot_general3A_130 = arith.constant dense<0.000000e+00> : vector<1000x128xf32>
    %dot_general3A_131 = tpu.matmul %convert_element_type3A_126, %convert_element_type3A_4, %dot_general3A_130 {dimension_numbers = #tpu.dot_dimension_numbers<[1], [0], [0], [1], [0, 0, 1, 1], [], []>, transpose_lhs_hint = false} : vector<1000x2000xbf16>, vector<2000x128xbf16>, vector<1000x128xf32> -> vector<1000x128xf32>
    %add3A_132 = arith.addf %get3A_129, %dot_general3A_131 : vector<1000x128xf32>
    %swap3A_133 = arith.constant 4000 : index
    %swap3A_134 = arith.constant 0 : index
    %swap3A_135 = vector.load %arg4[%swap3A_133, %swap3A_134] : memref<10000x128xf32, #tpu.memory_space<vmem>>, vector<1000x128xf32>
    tpu.vector_store %arg4[%swap3A_133, %swap3A_134], %add3A_132 {strides = array<i32>} : memref<10000x128xf32, #tpu.memory_space<vmem>>, vector<1000x128xf32>,
    %get3A_136 = arith.constant 4000 : index
    %get3A_137 = arith.constant 0 : index
    %get3A_138 = vector.load %arg5[%get3A_136, %get3A_137] : memref<10000x16xf32, #tpu.memory_space<vmem>>, vector<1000x16xf32>
    %dot_general3A_139 = arith.constant dense<0.000000e+00> : vector<1000x16xf32>
    %dot_general3A_140 = tpu.matmul %convert_element_type3A_126, %convert_element_type3A_8, %dot_general3A_139 {dimension_numbers = #tpu.dot_dimension_numbers<[1], [0], [0], [1], [0, 0, 1, 1], [], []>, transpose_lhs_hint = false} : vector<1000x2000xbf16>, vector<2000x16xbf16>, vector<1000x16xf32> -> vector<1000x16xf32>
    %add3A_141 = arith.addf %get3A_138, %dot_general3A_140 : vector<1000x16xf32>
    %swap3A_142 = arith.constant 4000 : index
    %swap3A_143 = arith.constant 0 : index
    %swap3A_144 = vector.load %arg5[%swap3A_142, %swap3A_143] : memref<10000x16xf32, #tpu.memory_space<vmem>>, vector<1000x16xf32>
    tpu.vector_store %arg5[%swap3A_142, %swap3A_143], %add3A_141 {strides = array<i32>} : memref<10000x16xf32, #tpu.memory_space<vmem>>, vector<1000x16xf32>,
    %iota3A_145 = tpu.iota {dimensions = array<i32: 0>} : vector<1000x2000xi32>
    %add3A_146 = arith.constant 5000 : i32
    %add3A_147 = vector.broadcast %add3A_146 : i32 to vector<1000x2000xi32>
    %add3A_148 = arith.addi %add3A_147, %iota3A_145 : vector<1000x2000xi32>
    %eq3A_149 = vector.broadcast %get3A_13 : vector<1x2000xi32> to vector<1000x2000xi32>
    %eq3A_150 = arith.cmpi eq, %add3A_148, %eq3A_149 : vector<1000x2000xi32>
    %convert_element_type3A_151 = arith.extui %eq3A_150 : vector<1000x2000xi1> to vector<1000x2000xi32>
    %convert_element_type3A_152 = arith.sitofp %convert_element_type3A_151 : vector<1000x2000xi32> to vector<1000x2000xf32>
    %convert_element_type3A_153 = arith.truncf %convert_element_type3A_152 : vector<1000x2000xf32> to vector<1000x2000xbf16>
    %get3A_154 = arith.constant 5000 : index
    %get3A_155 = arith.constant 0 : index
    %get3A_156 = vector.load %arg4[%get3A_154, %get3A_155] : memref<10000x128xf32, #tpu.memory_space<vmem>>, vector<1000x128xf32>
    %dot_general3A_157 = arith.constant dense<0.000000e+00> : vector<1000x128xf32>
    %dot_general3A_158 = tpu.matmul %convert_element_type3A_153, %convert_element_type3A_4, %dot_general3A_157 {dimension_numbers = #tpu.dot_dimension_numbers<[1], [0], [0], [1], [0, 0, 1, 1], [], []>, transpose_lhs_hint = false} : vector<1000x2000xbf16>, vector<2000x128xbf16>, vector<1000x128xf32> -> vector<1000x128xf32>
    %add3A_159 = arith.addf %get3A_156, %dot_general3A_158 : vector<1000x128xf32>
    %swap3A_160 = arith.constant 5000 : index
    %swap3A_161 = arith.constant 0 : index
    %swap3A_162 = vector.load %arg4[%swap3A_160, %swap3A_161] : memref<10000x128xf32, #tpu.memory_space<vmem>>, vector<1000x128xf32>
    tpu.vector_store %arg4[%swap3A_160, %swap3A_161], %add3A_159 {strides = array<i32>} : memref<10000x128xf32, #tpu.memory_space<vmem>>, vector<1000x128xf32>,
    %get3A_163 = arith.constant 5000 : index
    %get3A_164 = arith.constant 0 : index
    %get3A_165 = vector.load %arg5[%get3A_163, %get3A_164] : memref<10000x16xf32, #tpu.memory_space<vmem>>, vector<1000x16xf32>
    %dot_general3A_166 = arith.constant dense<0.000000e+00> : vector<1000x16xf32>
    %dot_general3A_167 = tpu.matmul %convert_element_type3A_153, %convert_element_type3A_8, %dot_general3A_166 {dimension_numbers = #tpu.dot_dimension_numbers<[1], [0], [0], [1], [0, 0, 1, 1], [], []>, transpose_lhs_hint = false} : vector<1000x2000xbf16>, vector<2000x16xbf16>, vector<1000x16xf32> -> vector<1000x16xf32>
    %add3A_168 = arith.addf %get3A_165, %dot_general3A_167 : vector<1000x16xf32>
    %swap3A_169 = arith.constant 5000 : index
    %swap3A_170 = arith.constant 0 : index
    %swap3A_171 = vector.load %arg5[%swap3A_169, %swap3A_170] : memref<10000x16xf32, #tpu.memory_space<vmem>>, vector<1000x16xf32>
    tpu.vector_store %arg5[%swap3A_169, %swap3A_170], %add3A_168 {strides = array<i32>} : memref<10000x16xf32, #tpu.memory_space<vmem>>, vector<1000x16xf32>,
    %iota3A_172 = tpu.iota {dimensions = array<i32: 0>} : vector<1000x2000xi32>
    %add3A_173 = arith.constant 6000 : i32
    %add3A_174 = vector.broadcast %add3A_173 : i32 to vector<1000x2000xi32>
    %add3A_175 = arith.addi %add3A_174, %iota3A_172 : vector<1000x2000xi32>
    %eq3A_176 = vector.broadcast %get3A_13 : vector<1x2000xi32> to vector<1000x2000xi32>
    %eq3A_177 = arith.cmpi eq, %add3A_175, %eq3A_176 : vector<1000x2000xi32>
    %convert_element_type3A_178 = arith.extui %eq3A_177 : vector<1000x2000xi1> to vector<1000x2000xi32>
    %convert_element_type3A_179 = arith.sitofp %convert_element_type3A_178 : vector<1000x2000xi32> to vector<1000x2000xf32>
    %convert_element_type3A_180 = arith.truncf %convert_element_type3A_179 : vector<1000x2000xf32> to vector<1000x2000xbf16>
    %get3A_181 = arith.constant 6000 : index
    %get3A_182 = arith.constant 0 : index
    %get3A_183 = vector.load %arg4[%get3A_181, %get3A_182] : memref<10000x128xf32, #tpu.memory_space<vmem>>, vector<1000x128xf32>
    %dot_general3A_184 = arith.constant dense<0.000000e+00> : vector<1000x128xf32>
    %dot_general3A_185 = tpu.matmul %convert_element_type3A_180, %convert_element_type3A_4, %dot_general3A_184 {dimension_numbers = #tpu.dot_dimension_numbers<[1], [0], [0], [1], [0, 0, 1, 1], [], []>, transpose_lhs_hint = false} : vector<1000x2000xbf16>, vector<2000x128xbf16>, vector<1000x128xf32> -> vector<1000x128xf32>
    %add3A_186 = arith.addf %get3A_183, %dot_general3A_185 : vector<1000x128xf32>
    %swap3A_187 = arith.constant 6000 : index
    %swap3A_188 = arith.constant 0 : index
    %swap3A_189 = vector.load %arg4[%swap3A_187, %swap3A_188] : memref<10000x128xf32, #tpu.memory_space<vmem>>, vector<1000x128xf32>
    tpu.vector_store %arg4[%swap3A_187, %swap3A_188], %add3A_186 {strides = array<i32>} : memref<10000x128xf32, #tpu.memory_space<vmem>>, vector<1000x128xf32>,
    %get3A_190 = arith.constant 6000 : index
    %get3A_191 = arith.constant 0 : index
    %get3A_192 = vector.load %arg5[%get3A_190, %get3A_191] : memref<10000x16xf32, #tpu.memory_space<vmem>>, vector<1000x16xf32>
    %dot_general3A_193 = arith.constant dense<0.000000e+00> : vector<1000x16xf32>
    %dot_general3A_194 = tpu.matmul %convert_element_type3A_180, %convert_element_type3A_8, %dot_general3A_193 {dimension_numbers = #tpu.dot_dimension_numbers<[1], [0], [0], [1], [0, 0, 1, 1], [], []>, transpose_lhs_hint = false} : vector<1000x2000xbf16>, vector<2000x16xbf16>, vector<1000x16xf32> -> vector<1000x16xf32>
    %add3A_195 = arith.addf %get3A_192, %dot_general3A_194 : vector<1000x16xf32>
    %swap3A_196 = arith.constant 6000 : index
    %swap3A_197 = arith.constant 0 : index
    %swap3A_198 = vector.load %arg5[%swap3A_196, %swap3A_197] : memref<10000x16xf32, #tpu.memory_space<vmem>>, vector<1000x16xf32>
    tpu.vector_store %arg5[%swap3A_196, %swap3A_197], %add3A_195 {strides = array<i32>} : memref<10000x16xf32, #tpu.memory_space<vmem>>, vector<1000x16xf32>,
    %iota3A_199 = tpu.iota {dimensions = array<i32: 0>} : vector<1000x2000xi32>
    %add3A_200 = arith.constant 7000 : i32
    %add3A_201 = vector.broadcast %add3A_200 : i32 to vector<1000x2000xi32>
    %add3A_202 = arith.addi %add3A_201, %iota3A_199 : vector<1000x2000xi32>
    %eq3A_203 = vector.broadcast %get3A_13 : vector<1x2000xi32> to vector<1000x2000xi32>
    %eq3A_204 = arith.cmpi eq, %add3A_202, %eq3A_203 : vector<1000x2000xi32>
    %convert_element_type3A_205 = arith.extui %eq3A_204 : vector<1000x2000xi1> to vector<1000x2000xi32>
    %convert_element_type3A_206 = arith.sitofp %convert_element_type3A_205 : vector<1000x2000xi32> to vector<1000x2000xf32>
    %convert_element_type3A_207 = arith.truncf %convert_element_type3A_206 : vector<1000x2000xf32> to vector<1000x2000xbf16>
    %get3A_208 = arith.constant 7000 : index
    %get3A_209 = arith.constant 0 : index
    %get3A_210 = vector.load %arg4[%get3A_208, %get3A_209] : memref<10000x128xf32, #tpu.memory_space<vmem>>, vector<1000x128xf32>
    %dot_general3A_211 = arith.constant dense<0.000000e+00> : vector<1000x128xf32>
    %dot_general3A_212 = tpu.matmul %convert_element_type3A_207, %convert_element_type3A_4, %dot_general3A_211 {dimension_numbers = #tpu.dot_dimension_numbers<[1], [0], [0], [1], [0, 0, 1, 1], [], []>, transpose_lhs_hint = false} : vector<1000x2000xbf16>, vector<2000x128xbf16>, vector<1000x128xf32> -> vector<1000x128xf32>
    %add3A_213 = arith.addf %get3A_210, %dot_general3A_212 : vector<1000x128xf32>
    %swap3A_214 = arith.constant 7000 : index
    %swap3A_215 = arith.constant 0 : index
    %swap3A_216 = vector.load %arg4[%swap3A_214, %swap3A_215] : memref<10000x128xf32, #tpu.memory_space<vmem>>, vector<1000x128xf32>
    tpu.vector_store %arg4[%swap3A_214, %swap3A_215], %add3A_213 {strides = array<i32>} : memref<10000x128xf32, #tpu.memory_space<vmem>>, vector<1000x128xf32>,
    %get3A_217 = arith.constant 7000 : index
    %get3A_218 = arith.constant 0 : index
    %get3A_219 = vector.load %arg5[%get3A_217, %get3A_218] : memref<10000x16xf32, #tpu.memory_space<vmem>>, vector<1000x16xf32>
    %dot_general3A_220 = arith.constant dense<0.000000e+00> : vector<1000x16xf32>
    %dot_general3A_221 = tpu.matmul %convert_element_type3A_207, %convert_element_type3A_8, %dot_general3A_220 {dimension_numbers = #tpu.dot_dimension_numbers<[1], [0], [0], [1], [0, 0, 1, 1], [], []>, transpose_lhs_hint = false} : vector<1000x2000xbf16>, vector<2000x16xbf16>, vector<1000x16xf32> -> vector<1000x16xf32>
    %add3A_222 = arith.addf %get3A_219, %dot_general3A_221 : vector<1000x16xf32>
    %swap3A_223 = arith.constant 7000 : index
    %swap3A_224 = arith.constant 0 : index
    %swap3A_225 = vector.load %arg5[%swap3A_223, %swap3A_224] : memref<10000x16xf32, #tpu.memory_space<vmem>>, vector<1000x16xf32>
    tpu.vector_store %arg5[%swap3A_223, %swap3A_224], %add3A_222 {strides = array<i32>} : memref<10000x16xf32, #tpu.memory_space<vmem>>, vector<1000x16xf32>,
    %iota3A_226 = tpu.iota {dimensions = array<i32: 0>} : vector<1000x2000xi32>
    %add3A_227 = arith.constant 8000 : i32
    %add3A_228 = vector.broadcast %add3A_227 : i32 to vector<1000x2000xi32>
    %add3A_229 = arith.addi %add3A_228, %iota3A_226 : vector<1000x2000xi32>
    %eq3A_230 = vector.broadcast %get3A_13 : vector<1x2000xi32> to vector<1000x2000xi32>
    %eq3A_231 = arith.cmpi eq, %add3A_229, %eq3A_230 : vector<1000x2000xi32>
    %convert_element_type3A_232 = arith.extui %eq3A_231 : vector<1000x2000xi1> to vector<1000x2000xi32>
    %convert_element_type3A_233 = arith.sitofp %convert_element_type3A_232 : vector<1000x2000xi32> to vector<1000x2000xf32>
    %convert_element_type3A_234 = arith.truncf %convert_element_type3A_233 : vector<1000x2000xf32> to vector<1000x2000xbf16>
    %get3A_235 = arith.constant 8000 : index
    %get3A_236 = arith.constant 0 : index
    %get3A_237 = vector.load %arg4[%get3A_235, %get3A_236] : memref<10000x128xf32, #tpu.memory_space<vmem>>, vector<1000x128xf32>
    %dot_general3A_238 = arith.constant dense<0.000000e+00> : vector<1000x128xf32>
    %dot_general3A_239 = tpu.matmul %convert_element_type3A_234, %convert_element_type3A_4, %dot_general3A_238 {dimension_numbers = #tpu.dot_dimension_numbers<[1], [0], [0], [1], [0, 0, 1, 1], [], []>, transpose_lhs_hint = false} : vector<1000x2000xbf16>, vector<2000x128xbf16>, vector<1000x128xf32> -> vector<1000x128xf32>
    %add3A_240 = arith.addf %get3A_237, %dot_general3A_239 : vector<1000x128xf32>
    %swap3A_241 = arith.constant 8000 : index
    %swap3A_242 = arith.constant 0 : index
    %swap3A_243 = vector.load %arg4[%swap3A_241, %swap3A_242] : memref<10000x128xf32, #tpu.memory_space<vmem>>, vector<1000x128xf32>
    tpu.vector_store %arg4[%swap3A_241, %swap3A_242], %add3A_240 {strides = array<i32>} : memref<10000x128xf32, #tpu.memory_space<vmem>>, vector<1000x128xf32>,
    %get3A_244 = arith.constant 8000 : index
    %get3A_245 = arith.constant 0 : index
    %get3A_246 = vector.load %arg5[%get3A_244, %get3A_245] : memref<10000x16xf32, #tpu.memory_space<vmem>>, vector<1000x16xf32>
    %dot_general3A_247 = arith.constant dense<0.000000e+00> : vector<1000x16xf32>
    %dot_general3A_248 = tpu.matmul %convert_element_type3A_234, %convert_element_type3A_8, %dot_general3A_247 {dimension_numbers = #tpu.dot_dimension_numbers<[1], [0], [0], [1], [0, 0, 1, 1], [], []>, transpose_lhs_hint = false} : vector<1000x2000xbf16>, vector<2000x16xbf16>, vector<1000x16xf32> -> vector<1000x16xf32>
    %add3A_249 = arith.addf %get3A_246, %dot_general3A_248 : vector<1000x16xf32>
    %swap3A_250 = arith.constant 8000 : index
    %swap3A_251 = arith.constant 0 : index
    %swap3A_252 = vector.load %arg5[%swap3A_250, %swap3A_251] : memref<10000x16xf32, #tpu.memory_space<vmem>>, vector<1000x16xf32>
    tpu.vector_store %arg5[%swap3A_250, %swap3A_251], %add3A_249 {strides = array<i32>} : memref<10000x16xf32, #tpu.memory_space<vmem>>, vector<1000x16xf32>,
    %iota3A_253 = tpu.iota {dimensions = array<i32: 0>} : vector<1000x2000xi32>
    %add3A_254 = arith.constant 9000 : i32
    %add3A_255 = vector.broadcast %add3A_254 : i32 to vector<1000x2000xi32>
    %add3A_256 = arith.addi %add3A_255, %iota3A_253 : vector<1000x2000xi32>
    %eq3A_257 = vector.broadcast %get3A_13 : vector<1x2000xi32> to vector<1000x2000xi32>
    %eq3A_258 = arith.cmpi eq, %add3A_256, %eq3A_257 : vector<1000x2000xi32>
    %convert_element_type3A_259 = arith.extui %eq3A_258 : vector<1000x2000xi1> to vector<1000x2000xi32>
    %convert_element_type3A_260 = arith.sitofp %convert_element_type3A_259 : vector<1000x2000xi32> to vector<1000x2000xf32>
    %convert_element_type3A_261 = arith.truncf %convert_element_type3A_260 : vector<1000x2000xf32> to vector<1000x2000xbf16>
    %get3A_262 = arith.constant 9000 : index
    %get3A_263 = arith.constant 0 : index
    %get3A_264 = vector.load %arg4[%get3A_262, %get3A_263] : memref<10000x128xf32, #tpu.memory_space<vmem>>, vector<1000x128xf32>
    %dot_general3A_265 = arith.constant dense<0.000000e+00> : vector<1000x128xf32>
    %dot_general3A_266 = tpu.matmul %convert_element_type3A_261, %convert_element_type3A_4, %dot_general3A_265 {dimension_numbers = #tpu.dot_dimension_numbers<[1], [0], [0], [1], [0, 0, 1, 1], [], []>, transpose_lhs_hint = false} : vector<1000x2000xbf16>, vector<2000x128xbf16>, vector<1000x128xf32> -> vector<1000x128xf32>
    %add3A_267 = arith.addf %get3A_264, %dot_general3A_266 : vector<1000x128xf32>
    %swap3A_268 = arith.constant 9000 : index
    %swap3A_269 = arith.constant 0 : index
    %swap3A_270 = vector.load %arg4[%swap3A_268, %swap3A_269] : memref<10000x128xf32, #tpu.memory_space<vmem>>, vector<1000x128xf32>
    tpu.vector_store %arg4[%swap3A_268, %swap3A_269], %add3A_267 {strides = array<i32>} : memref<10000x128xf32, #tpu.memory_space<vmem>>, vector<1000x128xf32>,
    %get3A_271 = arith.constant 9000 : index
    %get3A_272 = arith.constant 0 : index
    %get3A_273 = vector.load %arg5[%get3A_271, %get3A_272] : memref<10000x16xf32, #tpu.memory_space<vmem>>, vector<1000x16xf32>
    %dot_general3A_274 = arith.constant dense<0.000000e+00> : vector<1000x16xf32>
    %dot_general3A_275 = tpu.matmul %convert_element_type3A_261, %convert_element_type3A_8, %dot_general3A_274 {dimension_numbers = #tpu.dot_dimension_numbers<[1], [0], [0], [1], [0, 0, 1, 1], [], []>, transpose_lhs_hint = false} : vector<1000x2000xbf16>, vector<2000x16xbf16>, vector<1000x16xf32> -> vector<1000x16xf32>
    %add3A_276 = arith.addf %get3A_273, %dot_general3A_275 : vector<1000x16xf32>
    %swap3A_277 = arith.constant 9000 : index
    %swap3A_278 = arith.constant 0 : index
    %swap3A_279 = vector.load %arg5[%swap3A_277, %swap3A_278] : memref<10000x16xf32, #tpu.memory_space<vmem>>, vector<1000x16xf32>
    tpu.vector_store %arg5[%swap3A_277, %swap3A_278], %add3A_276 {strides = array<i32>} : memref<10000x16xf32, #tpu.memory_space<vmem>>, vector<1000x16xf32>,
    return
  }
  func.func @transform_0(%arg0: i32) -> (i32, i32, i32) {
    %c0_i32 = arith.constant 0 : i32
    %c0_i32_0 = arith.constant 0 : i32
    %c0_i32_1 = arith.constant 0 : i32
    return %arg0, %c0_i32, %c0_i32_0 : i32, i32, i32
  }
  func.func @transform_1(%arg0: i32) -> (i32, i32) {
    %c0_i32 = arith.constant 0 : i32
    %c0_i32_0 = arith.constant 0 : i32
    return %arg0, %c0_i32 : i32, i32
  }
  func.func @transform_2(%arg0: i32) -> (i32, i32) {
    %c0_i32 = arith.constant 0 : i32
    %c0_i32_0 = arith.constant 0 : i32
    return %arg0, %c0_i32 : i32, i32
  }
  func.func @transform_3(%arg0: i32) -> (i32, i32) {
    %c0_i32 = arith.constant 0 : i32
    %c0_i32_0 = arith.constant 0 : i32
    %c0_i32_1 = arith.constant 0 : i32
    return %c0_i32, %c0_i32_0 : i32, i32
  }
  func.func @transform_4(%arg0: i32) -> (i32, i32) {
    %c0_i32 = arith.constant 0 : i32
    %c0_i32_0 = arith.constant 0 : i32
    %c0_i32_1 = arith.constant 0 : i32
    return %c0_i32, %c0_i32_0 : i32, i32
  }
}

module attributes {stable_mosaic.version = 14 : i64} {
  func.func @_final_body(%arg0: i32, %arg1: memref<2000x128xf32, #tpu.memory_space<vmem>>, %arg2: memref<2000x16xf32, #tpu.memory_space<vmem>>, %arg3: memref<2000x128xf32, #tpu.memory_space<vmem>>, %arg4: memref<2000x128xf32, #tpu.memory_space<vmem>>) attributes {dimension_semantics = [#tpu.dimension_semantics<arbitrary>], iteration_bounds = array<i64: 5>, scalar_prefetch = 0 : i64, scratch_operands = 0 : i64, tpu.core_type = #tpu.core_type<tc>, window_params = [{transform_indices = @transform_0, window_bounds = array<i64: 2000, 128>}, {transform_indices = @transform_1, window_bounds = array<i64: 2000, 16>}, {transform_indices = @transform_2, window_bounds = array<i64: 2000, 128>}, {transform_indices = @transform_3, window_bounds = array<i64: 2000, 128>}]} {
    %get3A = arith.constant 0 : index
    %get3A_0 = arith.constant 0 : index
    %get3A_1 = vector.load %arg1[%get3A, %get3A_0] : memref<2000x128xf32, #tpu.memory_space<vmem>>, vector<2000x128xf32>
    %get3A_2 = arith.constant 0 : index
    %get3A_3 = arith.constant 0 : index
    %get3A_4 = vector.load %arg2[%get3A_2, %get3A_3] : memref<2000x16xf32, #tpu.memory_space<vmem>>, vector<2000x16xf32>
    %iota3A = tpu.iota {dimensions = array<i32: 0>} : vector<16x128xi32>
    %iota3A_5 = tpu.iota {dimensions = array<i32: 1>} : vector<16x128xi32>
    %jit3A = arith.constant 16 : i32
    %div3A = vector.broadcast %jit3A : i32 to vector<16x128xi32>
    %div3A_6 = arith.divsi %iota3A_5, %div3A : vector<16x128xi32>
    %sign3A = arith.constant 0 : i32
    %sign3A_7 = vector.broadcast %sign3A : i32 to vector<16x128xi32>
    %sign3A_8 = arith.cmpi sgt, %iota3A_5, %sign3A_7 : vector<16x128xi32>
    %sign3A_9 = arith.extui %sign3A_8 : vector<16x128xi1> to vector<16x128xi32>
    %sign3A_10 = arith.constant 0 : i32
    %sign3A_11 = vector.broadcast %sign3A_10 : i32 to vector<16x128xi32>
    %sign3A_12 = arith.cmpi slt, %iota3A_5, %sign3A_11 : vector<16x128xi32>
    %sign3A_13 = arith.extui %sign3A_12 : vector<16x128xi1> to vector<16x128xi32>
    %sign3A_14 = arith.subi %sign3A_9, %sign3A_13 : vector<16x128xi32>
    %sign3A_15 = arith.constant 0 : i32
    %sign3A_16 = arith.cmpi sgt, %jit3A, %sign3A_15 : i32
    %sign3A_17 = arith.extui %sign3A_16 : i1 to i32
    %sign3A_18 = arith.constant 0 : i32
    %sign3A_19 = arith.cmpi slt, %jit3A, %sign3A_18 : i32
    %sign3A_20 = arith.extui %sign3A_19 : i1 to i32
    %sign3A_21 = arith.subi %sign3A_17, %sign3A_20 : i32
    %ne3A = vector.broadcast %sign3A_21 : i32 to vector<16x128xi32>
    %ne3A_22 = arith.cmpi ne, %sign3A_14, %ne3A : vector<16x128xi32>
    %rem3A = vector.broadcast %jit3A : i32 to vector<16x128xi32>
    %rem3A_23 = arith.remsi %iota3A_5, %rem3A : vector<16x128xi32>
    %ne3A_24 = arith.constant 0 : i32
    %ne3A_25 = vector.broadcast %ne3A_24 : i32 to vector<16x128xi32>
    %ne3A_26 = arith.cmpi ne, %rem3A_23, %ne3A_25 : vector<16x128xi32>
    %and3A = arith.andi %ne3A_22, %ne3A_26 : vector<16x128xi1>
    %sub3A = arith.constant 1 : i32
    %sub3A_27 = vector.broadcast %sub3A : i32 to vector<16x128xi32>
    %sub3A_28 = arith.subi %div3A_6, %sub3A_27 : vector<16x128xi32>
    %select_n3A = arith.select %and3A, %sub3A_28, %div3A_6 : vector<16x128xi1>, vector<16x128xi32>
    %eq3A = arith.cmpi eq, %iota3A, %select_n3A : vector<16x128xi32>
    %convert_element_type3A = arith.extui %eq3A : vector<16x128xi1> to vector<16x128xi32>
    %convert_element_type3A_29 = arith.sitofp %convert_element_type3A : vector<16x128xi32> to vector<16x128xf32>
    %dot_general3A = arith.constant dense<0.000000e+00> : vector<2000x128xf32>
    %dot_general3A_30 = tpu.matmul %get3A_4, %convert_element_type3A_29, %dot_general3A {dimension_numbers = #tpu.dot_dimension_numbers<[1], [0], [0], [1], [0, 0, 1, 1], [], []>, precision = #tpu.contract_precision<fp32>, transpose_lhs_hint = false} : vector<2000x16xf32>, vector<16x128xf32>, vector<2000x128xf32> -> vector<2000x128xf32>
    %gt3A = arith.constant 0.000000e+00 : f32
    %gt3A_31 = vector.broadcast %gt3A : f32 to vector<2000x128xf32>
    %gt3A_32 = arith.cmpf ogt, %dot_general3A_30, %gt3A_31 : vector<2000x128xf32>
    %div3A_33 = arith.divf %get3A_1, %dot_general3A_30 : vector<2000x128xf32>
    %jit3A_34 = arith.constant 0.000000e+00 : f32
    %broadcast_in_dim3A = vector.broadcast %jit3A_34 : f32 to vector<2000x128xf32>
    %select_n3A_35 = arith.select %gt3A_32, %div3A_33, %broadcast_in_dim3A : vector<2000x128xi1>, vector<2000x128xf32>
    %get3A_36 = arith.constant 0 : index
    %get3A_37 = arith.constant 0 : index
    %get3A_38 = vector.load %arg3[%get3A_36, %get3A_37] : memref<2000x128xf32, #tpu.memory_space<vmem>>, vector<2000x128xf32>
    %add3A = arith.addf %select_n3A_35, %get3A_38 : vector<2000x128xf32>
    %swap3A = arith.constant 0 : index
    %swap3A_39 = arith.constant 0 : index
    %swap3A_40 = vector.load %arg4[%swap3A, %swap3A_39] : memref<2000x128xf32, #tpu.memory_space<vmem>>, vector<2000x128xf32>
    tpu.vector_store %arg4[%swap3A, %swap3A_39], %add3A {strides = array<i32>} : memref<2000x128xf32, #tpu.memory_space<vmem>>, vector<2000x128xf32>,
    return
  }
  func.func @transform_0(%arg0: i32) -> (i32, i32) {
    %c0_i32 = arith.constant 0 : i32
    %c0_i32_0 = arith.constant 0 : i32
    return %arg0, %c0_i32 : i32, i32
  }
  func.func @transform_1(%arg0: i32) -> (i32, i32) {
    %c0_i32 = arith.constant 0 : i32
    %c0_i32_0 = arith.constant 0 : i32
    return %arg0, %c0_i32 : i32, i32
  }
  func.func @transform_2(%arg0: i32) -> (i32, i32) {
    %c0_i32 = arith.constant 0 : i32
    %c0_i32_0 = arith.constant 0 : i32
    return %arg0, %c0_i32 : i32, i32
  }
  func.func @transform_3(%arg0: i32) -> (i32, i32) {
    %c0_i32 = arith.constant 0 : i32
    %c0_i32_0 = arith.constant 0 : i32
    return %arg0, %c0_i32 : i32, i32
  }
}

</mosaic_0001>

<sc_bundles>
// kernel: kernel.7.cloned.1.call-start
scs
__scs_entry_jumppad:
0x0: {  	(pc) =	sbr.rel $0x88, $3  }
0x1: {  	(tag) =	ssettag $0x0;
	lr =	simm.s32 $0x1  }
0x2: {  	[smem:$0x3F91] =	sst lr;
	_ =	strace $0xD0000000  }
0x3: {  	_ = 	snop  }
0x4: {  	_ = 	snop  }
0x5: {  	_ = 	snop  }
0x6: {  	_ = 	snop  }
0x7: {  	_ = 	snop  }
__scs_overlays_trampoline_lowered:
0x8: {  	[smem:$0x3FA0] =	sst s0  }
0x9: {  	[smem:$0x3FA1] =	sst s1  }
0xa: {  	[smem:$0x3FA2] =	sst s2  }
0xb: {  	[smem:$0x3FA3] =	sst s3  }
0xc: {  	[smem:$0x3FA4] =	sst s4  }
0xd: {  	[smem:$0x3FA5] =	sst s5  }
0xe: {  	[smem:$0x3FA6] =	sst s6  }
0xf: {  	[smem:$0x3FA7] =	sst s7  }
0x10: {  	[smem:$0x3FA8] =	sst s8  }
0x11: {  	[smem:$0x3FA9] =	sst s9;
	s0 =	simm.s32 @!p0 $0x0  }
0x12: {  	s1 =	sld [smem:$0x3F8F];
	s0 =	simm.s32 @p0 $0x1  }
0x13: {  	[smem:$0x3FAA] =	sst s0;
	s0 =	simm.s32 @!p1 $0x0  }
0x14: {  	s2 =	sld [smem:$0x3F8E];
	s0 =	simm.s32 @p1 $0x1  }
0x15: {  	[smem:$0x3FAB] =	sst s0;
	s0 =	simm.s32 @!p2 $0x0  }
0x16: {  	s3 =	sld [smem:$0x3FDB];
	s0 =	simm.s32 @p2 $0x1  }
0x17: {  	s4 =	simm.s32 $0x1BF5;
	[smem:$0x3FAD] =	sst s0  }
0x18: {  	s0 =	sld [smem:$0x3F90];
	_ =	swait.ge [sflag:s4], $0x0  }
0x19: {  	s7 =	sld [smem:$0x3F91]  }
0x1a: {  	s8 =	sadd.s32 $0xFFFFE003, lr  }
0x1b: {  	s9 =	sadd.s32 $0xFFFFFEF7, lr;
	s5 =	simm.s32 $0xFFFFFFFF;
	p2 =	slt.u32 s8, $0xFFFFF086  }
0x1c: {  	p1 =	slt.u32 s9, $0xF7A;
	s5 =	simm.s32 @!p2 $0x0  }
0x1d: {  	s5 =	simm.s32 @p1 $0x1;
	p0 =	seq.s32 s7, s2  }
0x1e: {  	s7 =	smul.u32 @!p0 $0xF7A, s2;
	p2 =	seq.s32 @!p0 s5, $0x0  }
0x1f: {  	s9 =	smul.u32 $0xF7A, s1;
	s8 =	simm.s32 @!p0 $0x1BF5;
	p2 =	por !p2, p0  }
0x20: {  	[sflag:s8] =	ssyncset.s32 @!p0 $0xFFFFF086;
	s6 =	sadd.s32 @!p0 s3, s7;
	s7 =	simm.s32 @!p0 $0x108  }
0x21: {  	s3 =	sadd.s32 s3, s9;
	s6 =	sadd.s32 @!p0 $0x88, s6;
	s7 =	simm.s32 @p2 $0x1082  }
0x22: {  	[simem:s7], [sflag:s8] =	dma.local @!p0 [hbm:s6], $0xF7A  }
0x23: {  	s9 =	sor.u32 $0xD0000000, s2;
	s6 =	simm.s32 $0x108;
	_ =	swait.ge @!p0 [sflag:s8], $0x0  }
0x24: {  	s3 =	sadd.s32 $0x88, s3;
	s6 =	simm.s32 @!p1 $0x1082;
	[sflag:s4] =	ssyncset.s32 $0xFFFFF086  }
0x25: {  	[simem:s6], [sflag:s4] =	dma.local [hbm:s3], $0xF7A  }
0x26: {  	[smem:$0x3F91] =	sst s1;
	(tag) =	ssettag s2;
	_ =	strace s9  }
0x27: {  	s1 =	sld [smem:$0x3FA1]  }
0x28: {  	s2 =	sld [smem:$0x3FA2]  }
0x29: {  	s4 =	sld [smem:$0x3FA4]  }
0x2a: {  	p0 =	seq.s32 s5, $0x0;
	s5 =	sld [smem:$0x3FA5]  }
0x2b: {  	s6 =	sld [smem:$0x3FA6]  }
0x2c: {  	s7 =	sld [smem:$0x3FA7]  }
0x2d: {  	s3 =	simm.s32 $0x108;
	s8 =	sld [smem:$0x3FA8]  }
0x2e: {  	s3 =	simm.s32 @!p0 $0x1082;
	s9 =	sld [smem:$0x3FA9]  }
0x2f: {  	lr =	sadd.s32 s0, s3;
	s0 =	sld [smem:$0x3FA0]  }
0x30: {  	s3 =	sld [smem:$0x3FA3]  }
0x31: {  	[smem:$0x3FAC] =	sst s10  }
0x32: {  	s10 =	sld [smem:$0x3FAA];
	_ =	sdelay $0x3  }
0x33: {  	p0 =	seq.s32 s10, $0x1;
	s10 =	sld [smem:$0x3FAC];
	_ =	sdelay $0x3  }
0x34: {  	[smem:$0x3FAC] =	sst s10  }
0x35: {  	s10 =	sld [smem:$0x3FAB];
	_ =	sdelay $0x3  }
0x36: {  	p1 =	seq.s32 s10, $0x1;
	s10 =	sld [smem:$0x3FAC];
	_ =	sdelay $0x3  }
0x37: {  	[smem:$0x3FAC] =	sst s10  }
0x38: {  	s10 =	sld [smem:$0x3FAD]  }
0x39: {  	_ = 	snop;
	(pc) =	sbr.ind lr, $3  }
0x3a: {  	_ = 	snop  }
0x3b: {  	_ = 	snop  }
0x3c: {  	p2 =	seq.s32 s10, $0x1;
	s10 =	sld [smem:$0x3FAC]  }
0x3d: {  	_ =	shalt  }
0x3e: {  	_ =	shalt  }
0x3f: {  	_ =	shalt  }
0x40: {  	_ =	shalt  }
0x41: {  	_ =	shalt  }
0x42: {  	_ =	shalt  }
0x43: {  	_ =	shalt  }
0x44: {  	_ =	shalt  }
0x45: {  	_ =	shalt  }
0x46: {  	_ =	shalt  }
0x47: {  	_ =	shalt  }
0x48: {  	_ =	shalt  }
0x49: {  	_ =	shalt  }
0x4a: {  	_ =	shalt  }
0x4b: {  	_ =	shalt  }
0x4c: {  	_ =	shalt  }
0x4d: {  	_ =	shalt  }
0x4e: {  	_ =	shalt  }
0x4f: {  	_ =	shalt  }
0x50: {  	_ =	shalt  }
0x51: {  	_ =	shalt  }
0x52: {  	_ =	shalt  }
0x53: {  	_ =	shalt  }
0x54: {  	_ =	shalt  }
0x55: {  	_ =	shalt  }
0x56: {  	_ =	shalt  }
0x57: {  	_ =	shalt  }
0x58: {  	_ =	shalt  }
0x59: {  	_ =	shalt  }
0x5a: {  	_ =	shalt  }
0x5b: {  	_ =	shalt  }
0x5c: {  	_ =	shalt  }
0x5d: {  	_ =	shalt  }
0x5e: {  	_ =	shalt  }
0x5f: {  	_ =	shalt  }
0x60: {  	_ =	shalt  }
0x61: {  	_ =	shalt  }
0x62: {  	_ =	shalt  }
0x63: {  	_ =	shalt  }
0x64: {  	_ =	shalt  }
0x65: {  	_ =	shalt  }
0x66: {  	_ =	shalt  }
0x67: {  	_ =	shalt  }
0x68: {  	_ =	shalt  }
0x69: {  	_ =	shalt  }
0x6a: {  	_ =	shalt  }
0x6b: {  	_ =	shalt  }
0x6c: {  	_ =	shalt  }
0x6d: {  	_ =	shalt  }
0x6e: {  	_ =	shalt  }
0x6f: {  	_ =	shalt  }
0x70: {  	_ =	shalt  }
0x71: {  	_ =	shalt  }
0x72: {  	_ =	shalt  }
0x73: {  	_ =	shalt  }
0x74: {  	_ =	shalt  }
0x75: {  	_ =	shalt  }
0x76: {  	_ =	shalt  }
0x77: {  	_ =	shalt  }
0x78: {  	_ =	shalt  }
0x79: {  	_ =	shalt  }
0x7a: {  	_ =	shalt  }
0x7b: {  	_ =	shalt  }
0x7c: {  	_ =	shalt  }
0x7d: {  	_ =	shalt  }
0x7e: {  	_ =	shalt  }
0x7f: {  	_ =	shalt  }
0x80: {  	_ =	shalt  }
0x81: {  	_ =	shalt  }
0x82: {  	_ =	shalt  }
0x83: {  	_ =	shalt  }
0x84: {  	_ =	shalt  }
0x85: {  	_ =	shalt  }
0x86: {  	_ =	shalt  }
0x87: {  	_ =	shalt  }
.Lfunc_end0:
.L_simem_size_0:
called_computation_lowered:
.L_overlay_start_0:
0x88: {  	s2 =	sld [smem:$0x3FD9]  }
0x89: {  	s3 =	sld [smem:$0x3FFE];
	_ =	sdelay $0x1  }
0x8a: {  	s1 =	srdreg.scid  }
0x8b: {  	s0 =	sand.u32 $0x1, s1  }
0x8c: {  	s17 =	sshll.u32 s0, $0xA;
	s2 =	sadd.s32 s3, s2  }
0x8d: {  	s2 =	sadd.s32 s2, s17  }
0x8e: {  	[smem:$0x3FB8] =	sst s2  }
0x8f: {  	_ = 	snop  }
0x90: {  	s2 =	sld [smem:$0x3FC8]  }
0x91: {  	s18 =	sld [smem:$0x3FD0];
	(tm) =	ssettm $0x1  }
0x92: {  	s4 =	sld [smem:$0x3FFB];
	_ =	sdelay $0x3  }
0x93: {  	_ =	strace s4  }
0x94: {  	s4 =	sld [smem:$0x3FFC];
	_ =	sdelay $0x3  }
0x95: {  	_ =	strace s4  }
0x96: {  	s4 =	sld [smem:$0x3FFD];
	_ =	sdelay $0x3  }
0x97: {  	_ =	strace s4  }
0x98: {  	_ =	strace $0x8FFFFFFF  }
0x99: {  	s19 =	sld [smem:$0x3FDB];
	_ =	sdelay $0x1  }
0x9a: {  	s5 =	simm.s32 $_scs_section_size  }
0x9b: {  	s6 =	simm.s32 $_size__tile_overlayer_lowered;
	s7 =	simm.s32 $_tile_overlayer_lowered  }
0x9c: {  	s22 =	simm.s32 $0x1BFF;
	s21 =	sshll.u32 s7, $0x1;
	s4 =	sadd.s32 s5, s19  }
0x9d: {  	s8 =	simm.s32 $0x0;
	s20 =	sshll.u32 s6, $0x1;
	s6 =	sadd.s32 s21, s4  }
0x9e: {  	[timem:s8], [sflag:s22] =	dma.local [hbm:s6], s20  }
0x9f: {  	_ =	swait.ge [sflag:s22], s20  }
0xa0: {  	s5 =	ssub.s32 $0x0, s20;
	[sflag:s22] =	ssyncset.done $0x0  }
0xa1: {  	[sflag:s22] =	ssyncadd.s32 s5;
	_ =	sdelay $0x1  }
0xa2: {  	s23 =	simm.s32 $0x1B8B  }
0xa3: {  	_ =	swait.ge [sflag:s23], $0x1  }
0xa4: {  	[sflag:s23] =	ssyncset.done $0x0  }
0xa5: {  	s25 =	simm.s32 $0x1B8E;
	s24 =	sld [smem:$0x3FFE];
	[sflag:s23] =	ssyncadd.s32 $0xFFFFFFFF  }
0xa6: {  	s26 =	simm.s32 $execute0_lowered;
	[smem:$0x3FD2] =	sst s25  }
0xa7: {  	s6 =	sshll.u32 s26, $0x1;
	_ =	strace $0x80000046;
	[dreg:$0x1] =	wrdreg $0xFFFFFFFF  }
0xa8: {  	s28 =	simm.s32 $_size_execute0_lowered;
	s4 =	sadd.s32 s4, s6;
	[dreg:$0x0] =	wrdreg $0x0  }
0xa9: {  	s6 =	sshll.u32 s28, $0x1;
	[dreg:$0x2] =	wrdreg s4  }
0xaa: {  	[dreg:$0x3] =	wrdreg s6  }
0xab: {  	[dreg:$0x4] =	wrdreg $0xC0  }
0xac: {  	_ =	task [dreg:s8], $0x5FFFF  }
0xad: {  	[dreg:$0x1] =	wrdreg $0xFFFFFFFF  }
0xae: {  	[dreg:$0x0] =	wrdreg $0x60  }
0xaf: {  	[dreg:$0x2] =	wrdreg s18  }
0xb0: {  	[dreg:$0x3] =	wrdreg s24  }
0xb1: {  	[dreg:$0x4] =	wrdreg s2  }
0xb2: {  	[dreg:$0x5] =	wrdreg $0x9  }
0xb3: {  	_ =	task.clear_ibuf [dreg:s8], $0x6FFFF;
	_ =	strace $0x90000046  }
0xb4: {  	s29 =	simm.s32 $0x9;
	_ =	strace $0x80000048  }
0xb5: {  	_ =	swait.ge [sflag:s29], $0x1  }
0xb6: {  	[sflag:s29] =	ssyncadd.s32 $0xFFFFFFFF  }
0xb7: {  	_ =	strace $0x90000048  }
0xb8: {  	_ =	sfence  }
0xb9: {  	s30 =	sld [smem:$0x0];
	_ =	sdelay $0x2  }
0xba: {  	s31 =	sshll.u32 s1, $0xD;
	s1 =	sshrl.u32 s1, $0x2  }
0xbb: {  	s3 =	sand.u32 $0x4000, s31;
	s1 =	sadd.s32 s1, s30  }
0xbc: {  	s0 =	sor.u32 s3, s0;
	s1 =	sshll.u32 s1, $0x11  }
0xbd: {  	s0 =	sor.u32 s1, s0  }
0xbe: {  	s0 =	sadd.s32 $0x8F2B, s0  }
0xbf: {  	[sflag:s0] =	ssyncadd.remote.s32 $0x1  }
0xc0: {  	_ =	sfence.sel $0xFFFF  }
0xc1: {  	[dreg:$0x0] =	wrdreg $0xFFFFFFFF;
	(pc) =	sbr.abs _section_cstart, $3  }
0xc2: {  	[dreg:$0x1] =	wrdreg $0xFFFFFFFF  }
0xc3: {  	_ =	task.clear_ibuf [dreg:s8], $0x2FFFF;
	_ =	strace $0x9FFFFFFF  }
0xc4: {  	(tm) =	ssettm $0x7FFFFFFF  }
0xc5: {  	_ =	shalt  }
tec
execute0_lowered:
.L_overlay_start_1:
0x0: {  	(tag) =	ssettag $0x1  }
0x1: {  	s0 =	rddreg [dreg:$0x0]  }
0x2: {  	s24 =	rddreg [dreg:$0x1];
	s2 =	srdreg.scid  }
0x3: {  	s3 =	simm.s32 $0x0;
	s1 =	stileid.u32;
	s11 =	simm.s32 $0x7980  }
0x4: {  	s12 =	simm.s32 $0x3;
	s13 =	simm.s32 $0x80;
	s14 =	simm.s32 $0x2900  }
0x5: {  	s15 =	simm.s32 $0x3100;
	s16 =	simm.s32 $0x3900;
	s17 =	simm.s32 $0x4100  }
0x6: {  	s18 =	simm.s32 $0x4900;
	s19 =	simm.s32 $0x5100;
	s20 =	simm.s32 $0x5900  }
0x7: {  	s21 =	simm.s32 $0x6100;
	s22 =	simm.s32 $0x6900;
	s6 =	smul.u32 $0x2710, s1  }
0x8: {  	s23 =	simm.s32 $0x7100;
	s28 =	simm.s32 $0x2;
	s8 =	smul.u32 $0x27100, s1  }
0x9: {  	s29 =	simm.s32 $0x7900;
	s2 =	sand.u32 $0x1, s2;
	s9 =	smul.u32 $0x4E200, s1  }
0xa: {  	s30 =	simm.s32 $0x0;
	[dreg:$0x4] =	wrdreg s0;
	s5 =	smul.u32 $0x27100, s2  }
0xb: {  	[smem:$0x7FF] =	sst s3;
	s4 =	sadd.s32 $0x17200, s24;
	s7 =	smul.u32 $0x271000, s2  }
0xc: {  	_ =	strace $0x80000047;
	s25 =	smul.u32 $0x4E2000, s2;
	s2 =	ssub.s32 $0x2, s2  }
0xd: {  	s26 =	sshrl.u32 s2, $0x1;
	s5 =	sadd.s32 s6, s5;
	s7 =	sadd.s32 s7, s24  }
0xe: {  	s0 =	sadd.s32 s25, s24;
	s2 =	ssub.s32 s2, s26;
	s25 =	simm.s32 $0x100  }
0xf: {  	s26 =	simm.s32 $0x1;
	s5 =	sshrl.u32 s5, $0x3;
	s31 =	sadd.s32 s8, s7  }
0x10: {  	v2 =	vlaneseq.u32;
	s6 =	sadd.s32 s9, s0;
	s10 =	sadd.s32 s5, s24;
	s5 =	smax.u32 s2, $0x1  }
0x11: {  	vm0 =	vmmov $0xffff;
	v1 =	vshrl.u32 v2, $0x3;
	s0 =	sadd.s32 $0x96400, s31;
	s7 =	sadd.s32 $0x578400, s6;
	s24 =	simm.s32 $0x50  }
0x12: {  	v0 =	vand.u32 $0x7, v2;
	v2 =	vor.u32 $0x8, v2;
	v1 =	vmul.u32 $0x8, v1;
	s8 =	sadd.s32 $0x8C600, s10;
	s9 =	sadd.s32 $0xD400, s10;
	s10 =	sadd.s32 $0x3600, s10  }
.LBB2_1:
0x13: {  	s1 =	rddreg [dreg:$0x2]  }
0x14: {  	[tilespmem:s11], [sflag:$0x3] =	stream.linear.gather [hbm4b:s1+s3], $0x2780, $0x38;
	[tilespmem:$0xA100] =	vst v63  }
0x15: {  	_ =	swait.ge [sflag:s12], $0x2780  }
0x16: {  	s31 =	smov.u32 s7;
	[sflag:s12] =	ssyncset.done $0x0  }
0x17: {  	s6 =	smov.u32 s0;
	s2 =	simm.s32 $0x0;
	[sflag:s12] =	ssyncadd.s32 $0xFFFFD880  }
.LBB2_2:
0x18: {  	s1 =	sadd.s32 s2, s10  }
0x19: {  	[tilespmem:s3], [sflag:$0x3] =	stream.linear.gather [hbm4b:s1+s3], $0x50, $0x38;
	[tilespmem:$0xA100] =	vst v63  }
0x1a: {  	_ =	swait.ge [sflag:s12], $0x50  }
0x1b: {  	[sflag:s12] =	ssyncset.done $0x0  }
0x1c: {  	s1 =	sadd.s32 s2, s9;
	[sflag:s12] =	ssyncadd.s32 $0xFFFFFFB0  }
0x1d: {  	[tilespmem:s13], [sflag:$0x3] =	stream.linear.gather [hbm4b:s1+s3], $0x50, $0x38;
	[tilespmem:$0xA100] =	vst v63  }
0x1e: {  	_ =	swait.ge [sflag:s12], $0x50  }
0x1f: {  	[sflag:s12] =	ssyncset.done $0x0  }
0x20: {  	[sflag:s12] =	ssyncadd.s32 $0xFFFFFFB0  }
0x21: {  	v3 =	vld [tilespmem:$0x0];
	_ =	sdelay $0x4  }
0x22: {  	v4 =	vshll.u32 v3, $0x1  }
0x23: {  	v3 =	vand.u32 $0x7, v3;
	v4 =	vand.u32 $0xFFFFFFF0, v4  }
0x24: {  	v3 =	vor.u32 v3, v4  }
0x25: {  	v4 =	vperm.xlane v3, v0;
	_ =	sdelay $0x1  }
0x26: {  	v3 =	vperm.xlane v3, v2;
	v4 =	vadd.s32 v1, v4;
	_ =	sdelay $0x1  }
0x27: {  	v3 =	vadd.s32 v1, v3;
	_ =	sdelay $0x2  }
0x28: {  	[tilespmem:s14], [sflag:$0x1] =	stream.indirect_vreg.gather [hbm4b:s4+s3], $0x80, v4, vm0, $0xb8;
	[tilespmem:$0xA100] =	vst v63  }
0x29: {  	_ = 	snop  }
0x2a: {  	[tilespmem:s15], [sflag:$0x1] =	stream.indirect_vreg.gather [hbm4b:s4+s3], $0x80, v3, vm0, $0xb8;
	[tilespmem:$0xA100] =	vst v63  }
0x2b: {  	v3 =	vld [tilespmem:$0x10];
	_ =	sdelay $0x4  }
0x2c: {  	v58 =	vshll.u32 v3, $0x1  }
0x2d: {  	v3 =	vand.u32 $0x7, v3;
	v4 =	vand.u32 $0xFFFFFFF0, v58  }
0x2e: {  	v3 =	vor.u32 v3, v4  }
0x2f: {  	v4 =	vperm.xlane v3, v0;
	_ =	sdelay $0x1  }
0x30: {  	v3 =	vperm.xlane v3, v2;
	v4 =	vadd.s32 v1, v4;
	_ =	sdelay $0x1  }
0x31: {  	v3 =	vadd.s32 v1, v3;
	_ =	sdelay $0x2  }
0x32: {  	[tilespmem:s16], [sflag:$0x1] =	stream.indirect_vreg.gather [hbm4b:s4+s3], $0x80, v4, vm0, $0xb8;
	[tilespmem:$0xA100] =	vst v63  }
0x33: {  	_ = 	snop  }
0x34: {  	[tilespmem:s17], [sflag:$0x1] =	stream.indirect_vreg.gather [hbm4b:s4+s3], $0x80, v3, vm0, $0xb8;
	[tilespmem:$0xA100] =	vst v63  }
0x35: {  	v3 =	vld [tilespmem:$0x20];
	_ =	sdelay $0x4  }
0x36: {  	v59 =	vshll.u32 v3, $0x1  }
0x37: {  	v3 =	vand.u32 $0x7, v3;
	v4 =	vand.u32 $0xFFFFFFF0, v59  }
0x38: {  	v3 =	vor.u32 v3, v4  }
0x39: {  	v4 =	vperm.xlane v3, v0;
	_ =	sdelay $0x1  }
0x3a: {  	v3 =	vperm.xlane v3, v2;
	v4 =	vadd.s32 v1, v4;
	_ =	sdelay $0x1  }
0x3b: {  	v3 =	vadd.s32 v1, v3;
	_ =	sdelay $0x2  }
0x3c: {  	[tilespmem:s18], [sflag:$0x1] =	stream.indirect_vreg.gather [hbm4b:s4+s3], $0x80, v4, vm0, $0xb8;
	[tilespmem:$0xA100] =	vst v63  }
0x3d: {  	_ = 	snop  }
0x3e: {  	[tilespmem:s19], [sflag:$0x1] =	stream.indirect_vreg.gather [hbm4b:s4+s3], $0x80, v3, vm0, $0xb8;
	[tilespmem:$0xA100] =	vst v63  }
0x3f: {  	v3 =	vld [tilespmem:$0x30];
	_ =	sdelay $0x4  }
0x40: {  	v60 =	vshll.u32 v3, $0x1  }
0x41: {  	v3 =	vand.u32 $0x7, v3;
	v4 =	vand.u32 $0xFFFFFFF0, v60  }
0x42: {  	v3 =	vor.u32 v3, v4  }
0x43: {  	v4 =	vperm.xlane v3, v0;
	_ =	sdelay $0x1  }
0x44: {  	v3 =	vperm.xlane v3, v2;
	v4 =	vadd.s32 v1, v4;
	_ =	sdelay $0x1  }
0x45: {  	v3 =	vadd.s32 v1, v3;
	_ =	sdelay $0x2  }
0x46: {  	[tilespmem:s20], [sflag:$0x1] =	stream.indirect_vreg.gather [hbm4b:s4+s3], $0x80, v4, vm0, $0xb8;
	[tilespmem:$0xA100] =	vst v63  }
0x47: {  	_ = 	snop  }
0x48: {  	[tilespmem:s21], [sflag:$0x1] =	stream.indirect_vreg.gather [hbm4b:s4+s3], $0x80, v3, vm0, $0xb8;
	[tilespmem:$0xA100] =	vst v63  }
0x49: {  	v3 =	vld [tilespmem:$0x40];
	_ =	sdelay $0x4  }
0x4a: {  	v61 =	vshll.u32 v3, $0x1  }
0x4b: {  	v3 =	vand.u32 $0x7, v3;
	v4 =	vand.u32 $0xFFFFFFF0, v61  }
0x4c: {  	v3 =	vor.u32 v3, v4  }
0x4d: {  	v4 =	vperm.xlane v3, v0;
	_ =	sdelay $0x1  }
0x4e: {  	v3 =	vperm.xlane v3, v2;
	v4 =	vadd.s32 v1, v4;
	_ =	sdelay $0x1  }
0x4f: {  	v3 =	vadd.s32 v1, v3;
	_ =	sdelay $0x2  }
0x50: {  	[tilespmem:s22], [sflag:$0x1] =	stream.indirect_vreg.gather [hbm4b:s4+s3], $0x80, v4, vm0, $0xb8;
	[tilespmem:$0xA100] =	vst v63  }
0x51: {  	_ = 	snop  }
0x52: {  	[tilespmem:s23], [sflag:$0x1] =	stream.indirect_vreg.gather [hbm4b:s4+s3], $0x80, v3, vm0, $0xb8;
	[tilespmem:$0xA100] =	vst v63  }
0x53: {  	s1 =	rddreg [dreg:$0x4]  }
0x54: {  	[tilespmem:s25], [sflag:$0x2] =	stream.indirect.gather [hbm4b:s1+s24], $0x80, s13, s24, $0xb8;
	[tilespmem:$0xA100] =	vst v63  }
0x55: {  	v3 =	vld [tilespmem:$0x0];
	_ =	sdelay $0x5  }
0x56: {  	v4 =	vld [tilespmem:$0x10];
	_ =	sdelay $0x1  }
0x57: {  	v3 =	vld.idx.msk [tilespmem:v3+s11+$0x0], $0xffff;
	_ =	sdelay $0x3  }
0x58: {  	v5 =	vld [tilespmem:$0x20]  }
0x59: {  	[tilespmem:$0x7900] =	vst v3  }
0x5a: {  	v3 =	vld.idx.msk [tilespmem:v4+s11+$0x0], $0xffff;
	_ =	sdelay $0x3  }
0x5b: {  	v62 =	vld [tilespmem:$0x30]  }
0x5c: {  	[tilespmem:$0x7910] =	vst v3  }
0x5d: {  	v3 =	vld.idx.msk [tilespmem:v5+s11+$0x0], $0xffff;
	_ =	sdelay $0x3  }
0x5e: {  	v63 =	vld [tilespmem:$0x40]  }
0x5f: {  	[tilespmem:$0x7920] =	vst v3  }
0x60: {  	v3 =	vld.idx.msk [tilespmem:v62+s11+$0x0], $0xffff;
	_ =	sdelay $0x4  }
0x61: {  	[tilespmem:$0x7930] =	vst v3  }
0x62: {  	v3 =	vld.idx.msk [tilespmem:v63+s11+$0x0], $0xffff;
	_ =	sdelay $0x4  }
0x63: {  	[tilespmem:$0x7940] =	vst v3  }
0x64: {  	_ =	swait.ge [sflag:s26], $0x5000  }
0x65: {  	[sflag:s26] =	ssyncset.done $0x0  }
0x66: {  	[sflag:s26] =	ssyncadd.s32 $0xFFFFB000  }
0x67: {  	_ =	swait.ge [sflag:s28], $0x2800  }
0x68: {  	[sflag:s28] =	ssyncset.done $0x0  }
0x69: {  	[sflag:s28] =	ssyncadd.s32 $0xFFFFD800  }
0x6a: {  	[hbm4b:s31+s3] =	stream.linear.scatter [tilespmem:s14], [sflag:$0x3], $0x5000, $0x38;
	[tilespmem:$0xA100] =	vst v63  }
0x6b: {  	_ =	swait.ge [sflag:s12], $0x5000  }
0x6c: {  	[sflag:s12] =	ssyncset.done $0x0  }
0x6d: {  	[sflag:s12] =	ssyncadd.s32 $0xFFFFB000  }
0x6e: {  	[hbm4b:s6+s3] =	stream.linear.scatter [tilespmem:s25], [sflag:$0x3], $0x2800, $0x38;
	[tilespmem:$0xA100] =	vst v63  }
0x6f: {  	_ =	swait.ge [sflag:s12], $0x2800  }
0x70: {  	p0 =	sne.s32 s2, $0x4D8;
	[sflag:s12] =	ssyncset.done $0x0  }
.Ltmp0:
0x71: {  	s1 =	sadd.s32 s2, s8;
	[sflag:s12] =	ssyncadd.s32 $0xFFFFD800;
	(pc) =	sbr.rel @p0 .LBB2_2-.Ltmp0, $4  }
0x72: {  	[hbm4b:s1+s3] =	stream.linear.scatter [tilespmem:s29], [sflag:$0x3], $0x50, $0x38;
	[tilespmem:$0xA100] =	vst v63  }
0x73: {  	_ =	swait.ge [sflag:s12], $0x50  }
0x74: {  	s2 =	sadd.s32 $0xA, s2;
	[sflag:s12] =	ssyncset.done $0x0  }
0x75: {  	s31 =	sadd.s32 $0xA00, s31;
	s6 =	sadd.s32 $0x500, s6;
	[sflag:s12] =	ssyncadd.s32 $0xFFFFFFB0  }
0x76: {  	s30 =	sadd.s32 $0x1, s30  }
0x77: {  	p0 =	sne.s32 s30, s5  }
.Ltmp1:
0x78: {  	_ = 	snop;
	(pc) =	sbr.rel @p0 .LBB2_1-.Ltmp1, $1  }
0x79: {  	_ =	sdelay $0x3  }
0x7a: {  	_ =	sfence.sel $0x180000  }
0x7b: {  	[bflag:$0x0] =	sbarrier.arrive $0xFFFF  }
0x7c: {  	_ =	strace $0x90000047  }
0x7d: {  	s0 =	stileid.u32;
	[bflag:$0x2] =	sbarrier.arrive $0xFFFF  }
0x7e: {  	p0 =	sne.s32 s0, $0x0;
	s0 =	rddreg [dreg:$0x3]  }
0x7f: {  	s0 =	sadd.s32 @!p0 $0x100000, s0  }
0x80: {  	[sflag:s0] =	ssyncadd.tile.s32 @!p0 $0x1;
	_ =	shalt  }
.Lfunc_end2:
_tile_overlayer_lowered:
.L_overlay_start_2:
0x81: {  	(tag) =	ssettag $0x2  }
0x82: {  	s0 =	rddreg [dreg:$0x0];
	s2 =	stileid.u32  }
0x83: {  	s1 =	rddreg [dreg:$0x1];
	p0 =	sne.s32 s2, $0x0  }
0x84: {  	s3 =	rddreg [dreg:$0x2];
	[bflag:$0x3] =	sbarrier.arrive $0xFFFF;
	s2 =	simm.s32 @!p0 $0x1C03  }
0x85: {  	[timem:s3], [sflag:s2] =	dma.local @!p0 [hbm:s0], s1  }
0x86: {  	s0 =	simm.s32 @!p0 $0x3  }
0x87: {  	_ =	swait.ge @!p0 [sflag:s0], s1  }
0x88: {  	s1 =	ssub.s32 @!p0 $0x0, s1;
	[sflag:s0] =	ssyncset.done @!p0 $0x0  }
0x89: {  	[sflag:s0] =	ssyncadd.s32 @!p0 s1  }
0x8a: {  	[bflag:$0x3] =	sbarrier.arrive $0xFFFF  }
0x8b: {  	_ =	shalt  }

</sc_bundles>
